<compile_context>
chip_gen: v7x
topology: tpu7x:2x2x1
jax: 0.10.2.dev20260603
libtpu: 0.0.44.dev20260713+nightly
codegen_flags: <defaults>
</compile_context>

<pallas_src>
import functools

import jax
import jax.numpy as jnp
from jax import lax
from jax.experimental import pallas as pl
from jax.experimental.pallas import tpu as pltpu
from jax.experimental.pallas import tpu_sc as plsc

_VOCAB = 819
_D = 128
_VPAD = 824

_NC = 2
_NS = 16
_NW = _NC * _NS

_NBATCH = 16384
_ROWS = 26
_BAT_PW = _NBATCH // _NW


def _mlp_table_body(emb_ref, w1t_ref, b1_ref, w2t_ref, b2_ref, out_ref):
    inv_sqrt2 = 0.7071067811865476
    x = emb_ref[...]
    x = x * 0.5 * (1.0 + lax.erf(x * inv_sqrt2))
    x = jnp.dot(x, w1t_ref[...], preferred_element_type=jnp.float32) + b1_ref[...]
    x = x * 0.5 * (1.0 + lax.erf(x * inv_sqrt2))
    x = jnp.dot(x, w2t_ref[...], preferred_element_type=jnp.float32) + b2_ref[...]
    out_ref[...] = x


def _transform_table(emb, W1, b1, W2, b2):
    emb_pad = jnp.pad(emb, ((0, _VPAD - _VOCAB), (0, 0)))
    return pl.pallas_call(
        _mlp_table_body,
        out_shape=jax.ShapeDtypeStruct((_VPAD, _D), jnp.float32),
    )(emb_pad, W1.T, b1.reshape(1, _D), W2.T, b2.reshape(1, _D))


_NBUF = 8
_CHUNK = 64
_IPW = _BAT_PW * _ROWS
_NCHUNK = _IPW // _CHUNK
_B = _NBATCH * _ROWS


def _gather_body(table_hbm, idx_hbm, out_hbm, table_sp, idx_v, rows_v, gsems, ssems):
    c = lax.axis_index("c")
    s = lax.axis_index("s")
    wid = s * _NC + c
    @pl.when(s == 0)
    def _():
        pltpu.sync_copy(table_hbm, table_sp)

    pltpu.sync_copy(idx_hbm.at[pl.ds(wid * _IPW, _IPW)], idx_v)
    plsc.subcore_barrier()

    def gather_args(ch, b):
        return (
            table_sp.at[idx_v.at[pl.ds(ch * _CHUNK, _CHUNK)]],
            rows_v.at[b],
            gsems[b],
        )

    def scatter_args(i, b):
        off = i * _NBATCH + wid * _BAT_PW + b * _CHUNK
        return rows_v.at[b], out_hbm.at[pl.ds(off, _CHUNK)], ssems[b]

    for b in range(_NBUF):
        pltpu.async_copy(*gather_args(b, b))

    def outer(i, carry):
        co = i * _NBUF
        for b in range(_NBUF):
            pltpu.make_async_copy(*gather_args(co + b, b)).wait()
            pltpu.async_copy(*scatter_args(i, b))
        for b in range(_NBUF):
            cn = co + b + _NBUF

            @pl.when(cn < _NCHUNK)
            def _():
                pltpu.make_async_copy(*scatter_args(i, b)).wait()
                pltpu.async_copy(*gather_args(cn, b))

        return carry

    lax.fori_loop(0, _NCHUNK // _NBUF, outer, 0)
    for b in range(_NBUF):
        pltpu.make_async_copy(*scatter_args(_NCHUNK // _NBUF - 1, b)).wait()


@functools.lru_cache(maxsize=1)
def _gather_call():
    return pl.kernel(
        _gather_body,
        out_type=jax.ShapeDtypeStruct((_B, _D), jnp.float32),
        mesh=plsc.VectorSubcoreMesh(core_axis_name="c", subcore_axis_name="s"),
        scratch_types=[
            pltpu.VMEM_SHARED((_VPAD, _D), jnp.float32),
            pltpu.VMEM((_IPW,), jnp.int32),
            pltpu.VMEM((_NBUF, _CHUNK, _D), jnp.float32),
            [pltpu.SemaphoreType.DMA] * _NBUF,
            [pltpu.SemaphoreType.DMA] * _NBUF,
        ],
        compiler_params=pltpu.CompilerParams(
            use_tc_tiling_on_sc=True, needs_layout_passes=True
        ),
    )


def kernel(X, emb, W1, b1, W2, b2):
    table = _transform_table(emb, W1, b1, W2, b2)
    idx = (
        X.astype(jnp.int32)
        .reshape(_NW, _BAT_PW, _ROWS)
        .transpose(0, 2, 1)
        .reshape(-1)
    )
    out = _gather_call()(table, idx)
    return out.reshape(_ROWS, _NBATCH, _D).transpose(1, 0, 2)

# --- scband reference (transcript-rebuilt; emitter-appended) ---
"""Pipeline reference for scband-aux-59176059404520 (READ-ONLY COPY).

The authoritative reference and input builder live on the scoring server;
editing this copy changes nothing except your own understanding.
"""

import jax, jax.numpy as jnp
import numpy as np

VOCAB = 819
AUX_DIM = 128

def setup_inputs(seed: int = 0) -> dict:
    key = jax.random.key(seed)
    k1, k2, k3, k4, k5, k6 = jax.random.split(key, 6)
    X = jax.random.randint(k1, (16384, 26), 0, VOCAB, dtype=jnp.int64) if jax.config.jax_enable_x64 else jax.random.randint(k1, (16384, 26), 0, VOCAB, dtype=jnp.int32)
    emb = jax.random.normal(k2, (VOCAB, AUX_DIM), dtype=jnp.float32)
    bound = 1.0 / np.sqrt(AUX_DIM)
    W1 = jax.random.uniform(k3, (AUX_DIM, AUX_DIM), minval=-bound, maxval=bound, dtype=jnp.float32)
    b1 = jax.random.uniform(k4, (AUX_DIM,), minval=-bound, maxval=bound, dtype=jnp.float32)
    W2 = jax.random.uniform(k5, (AUX_DIM, AUX_DIM), minval=-bound, maxval=bound, dtype=jnp.float32)
    b2 = jax.random.uniform(k6, (AUX_DIM,), minval=-bound, maxval=bound, dtype=jnp.float32)
    return {"X": X, "emb": emb, "W1": W1, "b1": b1, "W2": W2, "b2": b2}

def reference(X, emb, W1, b1, W2, b2):
    ans = jnp.take(emb, X, axis=0)
    ans = jax.nn.gelu(ans, approximate=False)
    ans = ans @ W1.T + b1
    ans = jax.nn.gelu(ans, approximate=False)
    ans = ans @ W2.T + b2
    return ans

if __name__ == "__main__":
    import jax
    _d = setup_inputs()
    print(jax.jit(kernel)(*tuple(_d.values())))

</pallas_src>

<mosaic_0001>
#map = affine_map<(d0, d1) -> (0, 0)>
#map1 = affine_map<(d0, d1) -> (0)>
module attributes {stable_mosaic.version = 14 : i64} {
  func.func @_gather_body(%arg0: i32, %arg1: i32, %arg2: memref<824x128xf32, #tpu.memory_space<hbm>>, %arg3: memref<425984xi32, #tpu.memory_space<hbm>>, %arg4: memref<425984x128xf32, #tpu.memory_space<hbm>>, %arg5: memref<824x128xf32, #tpu.memory_space<vmem_shared>>, %arg6: memref<13312xi32, #tpu.memory_space<vmem>>, %arg7: memref<8x64x128xf32, #tpu.memory_space<vmem>>, %arg8: memref<!tpu.dma_semaphore, #tpu.memory_space<semaphore_mem>>, %arg9: memref<!tpu.dma_semaphore, #tpu.memory_space<semaphore_mem>>, %arg10: memref<!tpu.dma_semaphore, #tpu.memory_space<semaphore_mem>>, %arg11: memref<!tpu.dma_semaphore, #tpu.memory_space<semaphore_mem>>, %arg12: memref<!tpu.dma_semaphore, #tpu.memory_space<semaphore_mem>>, %arg13: memref<!tpu.dma_semaphore, #tpu.memory_space<semaphore_mem>>, %arg14: memref<!tpu.dma_semaphore, #tpu.memory_space<semaphore_mem>>, %arg15: memref<!tpu.dma_semaphore, #tpu.memory_space<semaphore_mem>>, %arg16: memref<!tpu.dma_semaphore, #tpu.memory_space<semaphore_mem>>, %arg17: memref<!tpu.dma_semaphore, #tpu.memory_space<semaphore_mem>>, %arg18: memref<!tpu.dma_semaphore, #tpu.memory_space<semaphore_mem>>, %arg19: memref<!tpu.dma_semaphore, #tpu.memory_space<semaphore_mem>>, %arg20: memref<!tpu.dma_semaphore, #tpu.memory_space<semaphore_mem>>, %arg21: memref<!tpu.dma_semaphore, #tpu.memory_space<semaphore_mem>>, %arg22: memref<!tpu.dma_semaphore, #tpu.memory_space<semaphore_mem>>, %arg23: memref<!tpu.dma_semaphore, #tpu.memory_space<semaphore_mem>>) attributes {dimension_semantics = [#tpu.dimension_semantics<core_parallel>, #tpu.dimension_semantics<subcore_parallel>], iteration_bounds = array<i64: 2, 16>, scalar_prefetch = 0 : i64, scratch_operands = 19 : i64, tpu.core_type = #tpu.core_type<sc_vector_subcore>, window_params = [{transform_indices = #map}, {transform_indices = #map1}, {transform_indices = #map}]} {
    %mul3A = arith.constant 2 : i32
    %mul3A_0 = arith.muli %arg1, %mul3A : i32
    %add3A = arith.addi %mul3A_0, %arg0 : i32
    %eq3A = arith.constant 0 : i32
    %eq3A_1 = arith.cmpi eq, %arg1, %eq3A : i32
    %convert_element_type3A = arith.extui %eq3A_1 : i1 to i32
    %cond3A = arith.constant 0 : i32
    %cond3A_2 = arith.cmpi ne, %convert_element_type3A, %cond3A : i32
    scf.if %cond3A_2 {
      "tpu.region"() ({
        %run_scoped3A = tpu.sem_alloc : memref<!tpu.dma_semaphore, #tpu.memory_space<semaphore_mem>>
        tpu.enqueue_dma source(%arg2 : memref<824x128xf32, #tpu.memory_space<hbm>>) target(%arg5 : memref<824x128xf32, #tpu.memory_space<vmem_shared>>) target_semaphore(%run_scoped3A : memref<!tpu.dma_semaphore, #tpu.memory_space<semaphore_mem>>)
        tpu.wait_dma2 semaphore(%run_scoped3A : memref<!tpu.dma_semaphore, #tpu.memory_space<semaphore_mem>>) src(%arg2 : memref<824x128xf32, #tpu.memory_space<hbm>>) dst(%arg5 : memref<824x128xf32, #tpu.memory_space<vmem_shared>>)
        tpu.yield
      }) : () -> ()
    } else {
    }
    %mul3A_3 = arith.constant 13312 : i32
    %mul3A_4 = arith.muli %add3A, %mul3A_3 : i32
    "tpu.region"() ({
      %run_scoped3A = tpu.sem_alloc : memref<!tpu.dma_semaphore, #tpu.memory_space<semaphore_mem>>
      %dma_start3A_240 = tpu.memref_slice %arg3[%mul3A_4] : memref<425984xi32, #tpu.memory_space<hbm>> -> memref<13312xi32, #tpu.memory_space<hbm>>
      %dma_start3A_241 = tpu.memref_slice %arg3[%mul3A_4] : memref<425984xi32, #tpu.memory_space<hbm>> -> memref<13312xi32, #tpu.memory_space<hbm>>
      tpu.enqueue_dma source(%dma_start3A_241 : memref<13312xi32, #tpu.memory_space<hbm>>) target(%arg6 : memref<13312xi32, #tpu.memory_space<vmem>>) target_semaphore(%run_scoped3A : memref<!tpu.dma_semaphore, #tpu.memory_space<semaphore_mem>>)
      %dma_wait3A_242 = tpu.memref_slice %arg3[%mul3A_4] : memref<425984xi32, #tpu.memory_space<hbm>> -> memref<13312xi32, #tpu.memory_space<hbm>>
      %dma_wait3A_243 = tpu.memref_slice %arg3[%mul3A_4] : memref<425984xi32, #tpu.memory_space<hbm>> -> memref<13312xi32, #tpu.memory_space<hbm>>
      tpu.wait_dma2 semaphore(%run_scoped3A : memref<!tpu.dma_semaphore, #tpu.memory_space<semaphore_mem>>) src(%dma_wait3A_243 : memref<13312xi32, #tpu.memory_space<hbm>>) dst(%arg6 : memref<13312xi32, #tpu.memory_space<vmem>>)
      tpu.yield
    }) : () -> ()
    %barrier3A = arith.constant 0 : index
    tpu.barrier barrier_id(%barrier3A)
    %dma_start3A = arith.constant 0 : i32
    %dma_start3A_5 = arith.constant 0 : i32
    %dma_start3A_6 = arith.constant 0 : i32
    %dma_start3A_7 = tpu.memref_slice %arg7[%dma_start3A, %dma_start3A_5, %dma_start3A_6] : memref<8x64x128xf32, #tpu.memory_space<vmem>> -> memref<1x64x128xf32, #tpu.memory_space<vmem>>
    %dma_start3A_8 = tpu.memref_squeeze %dma_start3A_7 : memref<1x64x128xf32, #tpu.memory_space<vmem>> -> memref<64x128xf32, #tpu.memory_space<vmem>>
    %dma_start3A_9 = arith.constant 0 : i32
    %dma_start3A_10 = tpu.memref_slice %arg6[%dma_start3A_9] : memref<13312xi32, #tpu.memory_space<vmem>> -> memref<64xi32, #tpu.memory_space<vmem>>
    %dma_start3A_11 = arith.constant 0 : i32
    %dma_start3A_12 = arith.constant 0 : i32
    %dma_start3A_13 = tpu.memref_slice %arg5[%dma_start3A_11, %dma_start3A_12] : memref<824x128xf32, #tpu.memory_space<vmem_shared>> -> memref<824x128xf32, #tpu.memory_space<vmem_shared>>
    tpu.enqueue_indirect_dma source(%dma_start3A_13 : memref<824x128xf32, #tpu.memory_space<vmem_shared>>) target(%dma_start3A_8 : memref<64x128xf32, #tpu.memory_space<vmem>>) offsets(%dma_start3A_10 : memref<64xi32, #tpu.memory_space<vmem>>) semaphore(%arg8 : memref<!tpu.dma_semaphore, #tpu.memory_space<semaphore_mem>>)
    %dma_start3A_14 = arith.constant 1 : i32
    %dma_start3A_15 = arith.constant 0 : i32
    %dma_start3A_16 = arith.constant 0 : i32
    %dma_start3A_17 = tpu.memref_slice %arg7[%dma_start3A_14, %dma_start3A_15, %dma_start3A_16] : memref<8x64x128xf32, #tpu.memory_space<vmem>> -> memref<1x64x128xf32, #tpu.memory_space<vmem>>
    %dma_start3A_18 = tpu.memref_squeeze %dma_start3A_17 : memref<1x64x128xf32, #tpu.memory_space<vmem>> -> memref<64x128xf32, #tpu.memory_space<vmem>>
    %dma_start3A_19 = arith.constant 64 : i32
    %dma_start3A_20 = tpu.memref_slice %arg6[%dma_start3A_19] : memref<13312xi32, #tpu.memory_space<vmem>> -> memref<64xi32, #tpu.memory_space<vmem>>
    %dma_start3A_21 = arith.constant 0 : i32
    %dma_start3A_22 = arith.constant 0 : i32
    %dma_start3A_23 = tpu.memref_slice %arg5[%dma_start3A_21, %dma_start3A_22] : memref<824x128xf32, #tpu.memory_space<vmem_shared>> -> memref<824x128xf32, #tpu.memory_space<vmem_shared>>
    tpu.enqueue_indirect_dma source(%dma_start3A_23 : memref<824x128xf32, #tpu.memory_space<vmem_shared>>) target(%dma_start3A_18 : memref<64x128xf32, #tpu.memory_space<vmem>>) offsets(%dma_start3A_20 : memref<64xi32, #tpu.memory_space<vmem>>) semaphore(%arg9 : memref<!tpu.dma_semaphore, #tpu.memory_space<semaphore_mem>>)
    %dma_start3A_24 = arith.constant 2 : i32
    %dma_start3A_25 = arith.constant 0 : i32
    %dma_start3A_26 = arith.constant 0 : i32
    %dma_start3A_27 = tpu.memref_slice %arg7[%dma_start3A_24, %dma_start3A_25, %dma_start3A_26] : memref<8x64x128xf32, #tpu.memory_space<vmem>> -> memref<1x64x128xf32, #tpu.memory_space<vmem>>
    %dma_start3A_28 = tpu.memref_squeeze %dma_start3A_27 : memref<1x64x128xf32, #tpu.memory_space<vmem>> -> memref<64x128xf32, #tpu.memory_space<vmem>>
    %dma_start3A_29 = arith.constant 128 : i32
    %dma_start3A_30 = tpu.memref_slice %arg6[%dma_start3A_29] : memref<13312xi32, #tpu.memory_space<vmem>> -> memref<64xi32, #tpu.memory_space<vmem>>
    %dma_start3A_31 = arith.constant 0 : i32
    %dma_start3A_32 = arith.constant 0 : i32
    %dma_start3A_33 = tpu.memref_slice %arg5[%dma_start3A_31, %dma_start3A_32] : memref<824x128xf32, #tpu.memory_space<vmem_shared>> -> memref<824x128xf32, #tpu.memory_space<vmem_shared>>
    tpu.enqueue_indirect_dma source(%dma_start3A_33 : memref<824x128xf32, #tpu.memory_space<vmem_shared>>) target(%dma_start3A_28 : memref<64x128xf32, #tpu.memory_space<vmem>>) offsets(%dma_start3A_30 : memref<64xi32, #tpu.memory_space<vmem>>) semaphore(%arg10 : memref<!tpu.dma_semaphore, #tpu.memory_space<semaphore_mem>>)
    %dma_start3A_34 = arith.constant 3 : i32
    %dma_start3A_35 = arith.constant 0 : i32
    %dma_start3A_36 = arith.constant 0 : i32
    %dma_start3A_37 = tpu.memref_slice %arg7[%dma_start3A_34, %dma_start3A_35, %dma_start3A_36] : memref<8x64x128xf32, #tpu.memory_space<vmem>> -> memref<1x64x128xf32, #tpu.memory_space<vmem>>
    %dma_start3A_38 = tpu.memref_squeeze %dma_start3A_37 : memref<1x64x128xf32, #tpu.memory_space<vmem>> -> memref<64x128xf32, #tpu.memory_space<vmem>>
    %dma_start3A_39 = arith.constant 192 : i32
    %dma_start3A_40 = tpu.memref_slice %arg6[%dma_start3A_39] : memref<13312xi32, #tpu.memory_space<vmem>> -> memref<64xi32, #tpu.memory_space<vmem>>
    %dma_start3A_41 = arith.constant 0 : i32
    %dma_start3A_42 = arith.constant 0 : i32
    %dma_start3A_43 = tpu.memref_slice %arg5[%dma_start3A_41, %dma_start3A_42] : memref<824x128xf32, #tpu.memory_space<vmem_shared>> -> memref<824x128xf32, #tpu.memory_space<vmem_shared>>
    tpu.enqueue_indirect_dma source(%dma_start3A_43 : memref<824x128xf32, #tpu.memory_space<vmem_shared>>) target(%dma_start3A_38 : memref<64x128xf32, #tpu.memory_space<vmem>>) offsets(%dma_start3A_40 : memref<64xi32, #tpu.memory_space<vmem>>) semaphore(%arg11 : memref<!tpu.dma_semaphore, #tpu.memory_space<semaphore_mem>>)
    %dma_start3A_44 = arith.constant 4 : i32
    %dma_start3A_45 = arith.constant 0 : i32
    %dma_start3A_46 = arith.constant 0 : i32
    %dma_start3A_47 = tpu.memref_slice %arg7[%dma_start3A_44, %dma_start3A_45, %dma_start3A_46] : memref<8x64x128xf32, #tpu.memory_space<vmem>> -> memref<1x64x128xf32, #tpu.memory_space<vmem>>
    %dma_start3A_48 = tpu.memref_squeeze %dma_start3A_47 : memref<1x64x128xf32, #tpu.memory_space<vmem>> -> memref<64x128xf32, #tpu.memory_space<vmem>>
    %dma_start3A_49 = arith.constant 256 : i32
    %dma_start3A_50 = tpu.memref_slice %arg6[%dma_start3A_49] : memref<13312xi32, #tpu.memory_space<vmem>> -> memref<64xi32, #tpu.memory_space<vmem>>
    %dma_start3A_51 = arith.constant 0 : i32
    %dma_start3A_52 = arith.constant 0 : i32
    %dma_start3A_53 = tpu.memref_slice %arg5[%dma_start3A_51, %dma_start3A_52] : memref<824x128xf32, #tpu.memory_space<vmem_shared>> -> memref<824x128xf32, #tpu.memory_space<vmem_shared>>
    tpu.enqueue_indirect_dma source(%dma_start3A_53 : memref<824x128xf32, #tpu.memory_space<vmem_shared>>) target(%dma_start3A_48 : memref<64x128xf32, #tpu.memory_space<vmem>>) offsets(%dma_start3A_50 : memref<64xi32, #tpu.memory_space<vmem>>) semaphore(%arg12 : memref<!tpu.dma_semaphore, #tpu.memory_space<semaphore_mem>>)
    %dma_start3A_54 = arith.constant 5 : i32
    %dma_start3A_55 = arith.constant 0 : i32
    %dma_start3A_56 = arith.constant 0 : i32
    %dma_start3A_57 = tpu.memref_slice %arg7[%dma_start3A_54, %dma_start3A_55, %dma_start3A_56] : memref<8x64x128xf32, #tpu.memory_space<vmem>> -> memref<1x64x128xf32, #tpu.memory_space<vmem>>
    %dma_start3A_58 = tpu.memref_squeeze %dma_start3A_57 : memref<1x64x128xf32, #tpu.memory_space<vmem>> -> memref<64x128xf32, #tpu.memory_space<vmem>>
    %dma_start3A_59 = arith.constant 320 : i32
    %dma_start3A_60 = tpu.memref_slice %arg6[%dma_start3A_59] : memref<13312xi32, #tpu.memory_space<vmem>> -> memref<64xi32, #tpu.memory_space<vmem>>
    %dma_start3A_61 = arith.constant 0 : i32
    %dma_start3A_62 = arith.constant 0 : i32
    %dma_start3A_63 = tpu.memref_slice %arg5[%dma_start3A_61, %dma_start3A_62] : memref<824x128xf32, #tpu.memory_space<vmem_shared>> -> memref<824x128xf32, #tpu.memory_space<vmem_shared>>
    tpu.enqueue_indirect_dma source(%dma_start3A_63 : memref<824x128xf32, #tpu.memory_space<vmem_shared>>) target(%dma_start3A_58 : memref<64x128xf32, #tpu.memory_space<vmem>>) offsets(%dma_start3A_60 : memref<64xi32, #tpu.memory_space<vmem>>) semaphore(%arg13 : memref<!tpu.dma_semaphore, #tpu.memory_space<semaphore_mem>>)
    %dma_start3A_64 = arith.constant 6 : i32
    %dma_start3A_65 = arith.constant 0 : i32
    %dma_start3A_66 = arith.constant 0 : i32
    %dma_start3A_67 = tpu.memref_slice %arg7[%dma_start3A_64, %dma_start3A_65, %dma_start3A_66] : memref<8x64x128xf32, #tpu.memory_space<vmem>> -> memref<1x64x128xf32, #tpu.memory_space<vmem>>
    %dma_start3A_68 = tpu.memref_squeeze %dma_start3A_67 : memref<1x64x128xf32, #tpu.memory_space<vmem>> -> memref<64x128xf32, #tpu.memory_space<vmem>>
    %dma_start3A_69 = arith.constant 384 : i32
    %dma_start3A_70 = tpu.memref_slice %arg6[%dma_start3A_69] : memref<13312xi32, #tpu.memory_space<vmem>> -> memref<64xi32, #tpu.memory_space<vmem>>
    %dma_start3A_71 = arith.constant 0 : i32
    %dma_start3A_72 = arith.constant 0 : i32
    %dma_start3A_73 = tpu.memref_slice %arg5[%dma_start3A_71, %dma_start3A_72] : memref<824x128xf32, #tpu.memory_space<vmem_shared>> -> memref<824x128xf32, #tpu.memory_space<vmem_shared>>
    tpu.enqueue_indirect_dma source(%dma_start3A_73 : memref<824x128xf32, #tpu.memory_space<vmem_shared>>) target(%dma_start3A_68 : memref<64x128xf32, #tpu.memory_space<vmem>>) offsets(%dma_start3A_70 : memref<64xi32, #tpu.memory_space<vmem>>) semaphore(%arg14 : memref<!tpu.dma_semaphore, #tpu.memory_space<semaphore_mem>>)
    %dma_start3A_74 = arith.constant 7 : i32
    %dma_start3A_75 = arith.constant 0 : i32
    %dma_start3A_76 = arith.constant 0 : i32
    %dma_start3A_77 = tpu.memref_slice %arg7[%dma_start3A_74, %dma_start3A_75, %dma_start3A_76] : memref<8x64x128xf32, #tpu.memory_space<vmem>> -> memref<1x64x128xf32, #tpu.memory_space<vmem>>
    %dma_start3A_78 = tpu.memref_squeeze %dma_start3A_77 : memref<1x64x128xf32, #tpu.memory_space<vmem>> -> memref<64x128xf32, #tpu.memory_space<vmem>>
    %dma_start3A_79 = arith.constant 448 : i32
    %dma_start3A_80 = tpu.memref_slice %arg6[%dma_start3A_79] : memref<13312xi32, #tpu.memory_space<vmem>> -> memref<64xi32, #tpu.memory_space<vmem>>
    %dma_start3A_81 = arith.constant 0 : i32
    %dma_start3A_82 = arith.constant 0 : i32
    %dma_start3A_83 = tpu.memref_slice %arg5[%dma_start3A_81, %dma_start3A_82] : memref<824x128xf32, #tpu.memory_space<vmem_shared>> -> memref<824x128xf32, #tpu.memory_space<vmem_shared>>
    tpu.enqueue_indirect_dma source(%dma_start3A_83 : memref<824x128xf32, #tpu.memory_space<vmem_shared>>) target(%dma_start3A_78 : memref<64x128xf32, #tpu.memory_space<vmem>>) offsets(%dma_start3A_80 : memref<64xi32, #tpu.memory_space<vmem>>) semaphore(%arg15 : memref<!tpu.dma_semaphore, #tpu.memory_space<semaphore_mem>>)
    %scan3A = arith.constant 0 : i32
    %scan3A_84 = arith.constant 0 : i32
    %scan3A_85 = arith.constant 26 : i32
    %scan3A_86 = arith.addi %scan3A_84, %scan3A_85 : i32
    %scan3A_87 = arith.constant 1 : i32
    scf.for %scan3A_240 = %scan3A_84 to %scan3A_86 step %scan3A_87  : i32 {
      %mul3A_241 = arith.constant 8 : i32
      %mul3A_242 = arith.muli %scan3A_240, %mul3A_241 : i32
      %add3A_243 = arith.constant 0 : i32
      %add3A_244 = arith.addi %mul3A_242, %add3A_243 : i32
      %mul3A_245 = arith.constant 64 : i32
      %mul3A_246 = arith.muli %add3A_244, %mul3A_245 : i32
      %dma_wait3A_247 = arith.constant 0 : i32
      %dma_wait3A_248 = arith.constant 0 : i32
      %dma_wait3A_249 = arith.constant 0 : i32
      %dma_wait3A_250 = tpu.memref_slice %arg7[%dma_wait3A_247, %dma_wait3A_248, %dma_wait3A_249] : memref<8x64x128xf32, #tpu.memory_space<vmem>> -> memref<1x64x128xf32, #tpu.memory_space<vmem>>
      %dma_wait3A_251 = tpu.memref_squeeze %dma_wait3A_250 : memref<1x64x128xf32, #tpu.memory_space<vmem>> -> memref<64x128xf32, #tpu.memory_space<vmem>>
      %dma_wait3A_252 = tpu.memref_slice %arg6[%mul3A_246] : memref<13312xi32, #tpu.memory_space<vmem>> -> memref<64xi32, #tpu.memory_space<vmem>>
      %dma_wait3A_253 = arith.constant 0 : i32
      %dma_wait3A_254 = arith.constant 0 : i32
      %dma_wait3A_255 = tpu.memref_slice %arg5[%dma_wait3A_253, %dma_wait3A_254] : memref<824x128xf32, #tpu.memory_space<vmem_shared>> -> memref<824x128xf32, #tpu.memory_space<vmem_shared>>
      tpu.wait_indirect_dma semaphore(%arg8 : memref<!tpu.dma_semaphore, #tpu.memory_space<semaphore_mem>>) src(%dma_wait3A_255 : memref<824x128xf32, #tpu.memory_space<vmem_shared>>) dst(%dma_wait3A_251 : memref<64x128xf32, #tpu.memory_space<vmem>>)
      %mul3A_256 = arith.constant 16384 : i32
      %mul3A_257 = arith.muli %scan3A_240, %mul3A_256 : i32
      %mul3A_258 = arith.constant 512 : i32
      %mul3A_259 = arith.muli %add3A, %mul3A_258 : i32
      %add3A_260 = arith.addi %mul3A_257, %mul3A_259 : i32
      %add3A_261 = arith.constant 0 : i32
      %add3A_262 = arith.addi %add3A_260, %add3A_261 : i32
      %dma_start3A_263 = arith.constant 0 : i32
      %dma_start3A_264 = arith.constant 0 : i32
      %dma_start3A_265 = arith.constant 0 : i32
      %dma_start3A_266 = tpu.memref_slice %arg7[%dma_start3A_263, %dma_start3A_264, %dma_start3A_265] : memref<8x64x128xf32, #tpu.memory_space<vmem>> -> memref<1x64x128xf32, #tpu.memory_space<vmem>>
      %dma_start3A_267 = tpu.memref_squeeze %dma_start3A_266 : memref<1x64x128xf32, #tpu.memory_space<vmem>> -> memref<64x128xf32, #tpu.memory_space<vmem>>
      %dma_start3A_268 = arith.constant 0 : i32
      %dma_start3A_269 = tpu.memref_slice %arg4[%add3A_262, %dma_start3A_268] : memref<425984x128xf32, #tpu.memory_space<hbm>> -> memref<64x128xf32, #tpu.memory_space<hbm>>
      %dma_start3A_270 = arith.constant 0 : i32
      %dma_start3A_271 = tpu.memref_slice %arg4[%add3A_262, %dma_start3A_270] : memref<425984x128xf32, #tpu.memory_space<hbm>> -> memref<64x128xf32, #tpu.memory_space<hbm>>
      %dma_start3A_272 = arith.constant 0 : i32
      %dma_start3A_273 = arith.constant 0 : i32
      %dma_start3A_274 = tpu.memref_slice %arg7[%dma_start3A_263, %dma_start3A_272, %dma_start3A_273] : memref<8x64x128xf32, #tpu.memory_space<vmem>> -> memref<1x64x128xf32, #tpu.memory_space<vmem>>
      %dma_start3A_275 = tpu.memref_squeeze %dma_start3A_274 : memref<1x64x128xf32, #tpu.memory_space<vmem>> -> memref<64x128xf32, #tpu.memory_space<vmem>>
      tpu.enqueue_dma source(%dma_start3A_275 : memref<64x128xf32, #tpu.memory_space<vmem>>) target(%dma_start3A_271 : memref<64x128xf32, #tpu.memory_space<hbm>>) target_semaphore(%arg16 : memref<!tpu.dma_semaphore, #tpu.memory_space<semaphore_mem>>)
      %add3A_276 = arith.constant 1 : i32
      %add3A_277 = arith.addi %mul3A_242, %add3A_276 : i32
      %mul3A_278 = arith.constant 64 : i32
      %mul3A_279 = arith.muli %add3A_277, %mul3A_278 : i32
      %dma_wait3A_280 = arith.constant 1 : i32
      %dma_wait3A_281 = arith.constant 0 : i32
      %dma_wait3A_282 = arith.constant 0 : i32
      %dma_wait3A_283 = tpu.memref_slice %arg7[%dma_wait3A_280, %dma_wait3A_281, %dma_wait3A_282] : memref<8x64x128xf32, #tpu.memory_space<vmem>> -> memref<1x64x128xf32, #tpu.memory_space<vmem>>
      %dma_wait3A_284 = tpu.memref_squeeze %dma_wait3A_283 : memref<1x64x128xf32, #tpu.memory_space<vmem>> -> memref<64x128xf32, #tpu.memory_space<vmem>>
      %dma_wait3A_285 = tpu.memref_slice %arg6[%mul3A_279] : memref<13312xi32, #tpu.memory_space<vmem>> -> memref<64xi32, #tpu.memory_space<vmem>>
      %dma_wait3A_286 = arith.constant 0 : i32
      %dma_wait3A_287 = arith.constant 0 : i32
      %dma_wait3A_288 = tpu.memref_slice %arg5[%dma_wait3A_286, %dma_wait3A_287] : memref<824x128xf32, #tpu.memory_space<vmem_shared>> -> memref<824x128xf32, #tpu.memory_space<vmem_shared>>
      tpu.wait_indirect_dma semaphore(%arg9 : memref<!tpu.dma_semaphore, #tpu.memory_space<semaphore_mem>>) src(%dma_wait3A_288 : memref<824x128xf32, #tpu.memory_space<vmem_shared>>) dst(%dma_wait3A_284 : memref<64x128xf32, #tpu.memory_space<vmem>>)
      %mul3A_289 = arith.constant 16384 : i32
      %mul3A_290 = arith.muli %scan3A_240, %mul3A_289 : i32
      %mul3A_291 = arith.constant 512 : i32
      %mul3A_292 = arith.muli %add3A, %mul3A_291 : i32
      %add3A_293 = arith.addi %mul3A_290, %mul3A_292 : i32
      %add3A_294 = arith.constant 64 : i32
      %add3A_295 = arith.addi %add3A_293, %add3A_294 : i32
      %dma_start3A_296 = arith.constant 1 : i32
      %dma_start3A_297 = arith.constant 0 : i32
      %dma_start3A_298 = arith.constant 0 : i32
      %dma_start3A_299 = tpu.memref_slice %arg7[%dma_start3A_296, %dma_start3A_297, %dma_start3A_298] : memref<8x64x128xf32, #tpu.memory_space<vmem>> -> memref<1x64x128xf32, #tpu.memory_space<vmem>>
      %dma_start3A_300 = tpu.memref_squeeze %dma_start3A_299 : memref<1x64x128xf32, #tpu.memory_space<vmem>> -> memref<64x128xf32, #tpu.memory_space<vmem>>
      %dma_start3A_301 = arith.constant 0 : i32
      %dma_start3A_302 = tpu.memref_slice %arg4[%add3A_295, %dma_start3A_301] : memref<425984x128xf32, #tpu.memory_space<hbm>> -> memref<64x128xf32, #tpu.memory_space<hbm>>
      %dma_start3A_303 = arith.constant 0 : i32
      %dma_start3A_304 = tpu.memref_slice %arg4[%add3A_295, %dma_start3A_303] : memref<425984x128xf32, #tpu.memory_space<hbm>> -> memref<64x128xf32, #tpu.memory_space<hbm>>
      %dma_start3A_305 = arith.constant 0 : i32
      %dma_start3A_306 = arith.constant 0 : i32
      %dma_start3A_307 = tpu.memref_slice %arg7[%dma_start3A_296, %dma_start3A_305, %dma_start3A_306] : memref<8x64x128xf32, #tpu.memory_space<vmem>> -> memref<1x64x128xf32, #tpu.memory_space<vmem>>
      %dma_start3A_308 = tpu.memref_squeeze %dma_start3A_307 : memref<1x64x128xf32, #tpu.memory_space<vmem>> -> memref<64x128xf32, #tpu.memory_space<vmem>>
      tpu.enqueue_dma source(%dma_start3A_308 : memref<64x128xf32, #tpu.memory_space<vmem>>) target(%dma_start3A_304 : memref<64x128xf32, #tpu.memory_space<hbm>>) target_semaphore(%arg17 : memref<!tpu.dma_semaphore, #tpu.memory_space<semaphore_mem>>)
      %add3A_309 = arith.constant 2 : i32
      %add3A_310 = arith.addi %mul3A_242, %add3A_309 : i32
      %mul3A_311 = arith.constant 64 : i32
      %mul3A_312 = arith.muli %add3A_310, %mul3A_311 : i32
      %dma_wait3A_313 = arith.constant 2 : i32
      %dma_wait3A_314 = arith.constant 0 : i32
      %dma_wait3A_315 = arith.constant 0 : i32
      %dma_wait3A_316 = tpu.memref_slice %arg7[%dma_wait3A_313, %dma_wait3A_314, %dma_wait3A_315] : memref<8x64x128xf32, #tpu.memory_space<vmem>> -> memref<1x64x128xf32, #tpu.memory_space<vmem>>
      %dma_wait3A_317 = tpu.memref_squeeze %dma_wait3A_316 : memref<1x64x128xf32, #tpu.memory_space<vmem>> -> memref<64x128xf32, #tpu.memory_space<vmem>>
      %dma_wait3A_318 = tpu.memref_slice %arg6[%mul3A_312] : memref<13312xi32, #tpu.memory_space<vmem>> -> memref<64xi32, #tpu.memory_space<vmem>>
      %dma_wait3A_319 = arith.constant 0 : i32
      %dma_wait3A_320 = arith.constant 0 : i32
      %dma_wait3A_321 = tpu.memref_slice %arg5[%dma_wait3A_319, %dma_wait3A_320] : memref<824x128xf32, #tpu.memory_space<vmem_shared>> -> memref<824x128xf32, #tpu.memory_space<vmem_shared>>
      tpu.wait_indirect_dma semaphore(%arg10 : memref<!tpu.dma_semaphore, #tpu.memory_space<semaphore_mem>>) src(%dma_wait3A_321 : memref<824x128xf32, #tpu.memory_space<vmem_shared>>) dst(%dma_wait3A_317 : memref<64x128xf32, #tpu.memory_space<vmem>>)
      %mul3A_322 = arith.constant 16384 : i32
      %mul3A_323 = arith.muli %scan3A_240, %mul3A_322 : i32
      %mul3A_324 = arith.constant 512 : i32
      %mul3A_325 = arith.muli %add3A, %mul3A_324 : i32
      %add3A_326 = arith.addi %mul3A_323, %mul3A_325 : i32
      %add3A_327 = arith.constant 128 : i32
      %add3A_328 = arith.addi %add3A_326, %add3A_327 : i32
      %dma_start3A_329 = arith.constant 2 : i32
      %dma_start3A_330 = arith.constant 0 : i32
      %dma_start3A_331 = arith.constant 0 : i32
      %dma_start3A_332 = tpu.memref_slice %arg7[%dma_start3A_329, %dma_start3A_330, %dma_start3A_331] : memref<8x64x128xf32, #tpu.memory_space<vmem>> -> memref<1x64x128xf32, #tpu.memory_space<vmem>>
      %dma_start3A_333 = tpu.memref_squeeze %dma_start3A_332 : memref<1x64x128xf32, #tpu.memory_space<vmem>> -> memref<64x128xf32, #tpu.memory_space<vmem>>
      %dma_start3A_334 = arith.constant 0 : i32
      %dma_start3A_335 = tpu.memref_slice %arg4[%add3A_328, %dma_start3A_334] : memref<425984x128xf32, #tpu.memory_space<hbm>> -> memref<64x128xf32, #tpu.memory_space<hbm>>
      %dma_start3A_336 = arith.constant 0 : i32
      %dma_start3A_337 = tpu.memref_slice %arg4[%add3A_328, %dma_start3A_336] : memref<425984x128xf32, #tpu.memory_space<hbm>> -> memref<64x128xf32, #tpu.memory_space<hbm>>
      %dma_start3A_338 = arith.constant 0 : i32
      %dma_start3A_339 = arith.constant 0 : i32
      %dma_start3A_340 = tpu.memref_slice %arg7[%dma_start3A_329, %dma_start3A_338, %dma_start3A_339] : memref<8x64x128xf32, #tpu.memory_space<vmem>> -> memref<1x64x128xf32, #tpu.memory_space<vmem>>
      %dma_start3A_341 = tpu.memref_squeeze %dma_start3A_340 : memref<1x64x128xf32, #tpu.memory_space<vmem>> -> memref<64x128xf32, #tpu.memory_space<vmem>>
      tpu.enqueue_dma source(%dma_start3A_341 : memref<64x128xf32, #tpu.memory_space<vmem>>) target(%dma_start3A_337 : memref<64x128xf32, #tpu.memory_space<hbm>>) target_semaphore(%arg18 : memref<!tpu.dma_semaphore, #tpu.memory_space<semaphore_mem>>)
      %add3A_342 = arith.constant 3 : i32
      %add3A_343 = arith.addi %mul3A_242, %add3A_342 : i32
      %mul3A_344 = arith.constant 64 : i32
      %mul3A_345 = arith.muli %add3A_343, %mul3A_344 : i32
      %dma_wait3A_346 = arith.constant 3 : i32
      %dma_wait3A_347 = arith.constant 0 : i32
      %dma_wait3A_348 = arith.constant 0 : i32
      %dma_wait3A_349 = tpu.memref_slice %arg7[%dma_wait3A_346, %dma_wait3A_347, %dma_wait3A_348] : memref<8x64x128xf32, #tpu.memory_space<vmem>> -> memref<1x64x128xf32, #tpu.memory_space<vmem>>
      %dma_wait3A_350 = tpu.memref_squeeze %dma_wait3A_349 : memref<1x64x128xf32, #tpu.memory_space<vmem>> -> memref<64x128xf32, #tpu.memory_space<vmem>>
      %dma_wait3A_351 = tpu.memref_slice %arg6[%mul3A_345] : memref<13312xi32, #tpu.memory_space<vmem>> -> memref<64xi32, #tpu.memory_space<vmem>>
      %dma_wait3A_352 = arith.constant 0 : i32
      %dma_wait3A_353 = arith.constant 0 : i32
      %dma_wait3A_354 = tpu.memref_slice %arg5[%dma_wait3A_352, %dma_wait3A_353] : memref<824x128xf32, #tpu.memory_space<vmem_shared>> -> memref<824x128xf32, #tpu.memory_space<vmem_shared>>
      tpu.wait_indirect_dma semaphore(%arg11 : memref<!tpu.dma_semaphore, #tpu.memory_space<semaphore_mem>>) src(%dma_wait3A_354 : memref<824x128xf32, #tpu.memory_space<vmem_shared>>) dst(%dma_wait3A_350 : memref<64x128xf32, #tpu.memory_space<vmem>>)
      %mul3A_355 = arith.constant 16384 : i32
      %mul3A_356 = arith.muli %scan3A_240, %mul3A_355 : i32
      %mul3A_357 = arith.constant 512 : i32
      %mul3A_358 = arith.muli %add3A, %mul3A_357 : i32
      %add3A_359 = arith.addi %mul3A_356, %mul3A_358 : i32
      %add3A_360 = arith.constant 192 : i32
      %add3A_361 = arith.addi %add3A_359, %add3A_360 : i32
      %dma_start3A_362 = arith.constant 3 : i32
      %dma_start3A_363 = arith.constant 0 : i32
      %dma_start3A_364 = arith.constant 0 : i32
      %dma_start3A_365 = tpu.memref_slice %arg7[%dma_start3A_362, %dma_start3A_363, %dma_start3A_364] : memref<8x64x128xf32, #tpu.memory_space<vmem>> -> memref<1x64x128xf32, #tpu.memory_space<vmem>>
      %dma_start3A_366 = tpu.memref_squeeze %dma_start3A_365 : memref<1x64x128xf32, #tpu.memory_space<vmem>> -> memref<64x128xf32, #tpu.memory_space<vmem>>
      %dma_start3A_367 = arith.constant 0 : i32
      %dma_start3A_368 = tpu.memref_slice %arg4[%add3A_361, %dma_start3A_367] : memref<425984x128xf32, #tpu.memory_space<hbm>> -> memref<64x128xf32, #tpu.memory_space<hbm>>
      %dma_start3A_369 = arith.constant 0 : i32
      %dma_start3A_370 = tpu.memref_slice %arg4[%add3A_361, %dma_start3A_369] : memref<425984x128xf32, #tpu.memory_space<hbm>> -> memref<64x128xf32, #tpu.memory_space<hbm>>
      %dma_start3A_371 = arith.constant 0 : i32
      %dma_start3A_372 = arith.constant 0 : i32
      %dma_start3A_373 = tpu.memref_slice %arg7[%dma_start3A_362, %dma_start3A_371, %dma_start3A_372] : memref<8x64x128xf32, #tpu.memory_space<vmem>> -> memref<1x64x128xf32, #tpu.memory_space<vmem>>
      %dma_start3A_374 = tpu.memref_squeeze %dma_start3A_373 : memref<1x64x128xf32, #tpu.memory_space<vmem>> -> memref<64x128xf32, #tpu.memory_space<vmem>>
      tpu.enqueue_dma source(%dma_start3A_374 : memref<64x128xf32, #tpu.memory_space<vmem>>) target(%dma_start3A_370 : memref<64x128xf32, #tpu.memory_space<hbm>>) target_semaphore(%arg19 : memref<!tpu.dma_semaphore, #tpu.memory_space<semaphore_mem>>)
      %add3A_375 = arith.constant 4 : i32
      %add3A_376 = arith.addi %mul3A_242, %add3A_375 : i32
      %mul3A_377 = arith.constant 64 : i32
      %mul3A_378 = arith.muli %add3A_376, %mul3A_377 : i32
      %dma_wait3A_379 = arith.constant 4 : i32
      %dma_wait3A_380 = arith.constant 0 : i32
      %dma_wait3A_381 = arith.constant 0 : i32
      %dma_wait3A_382 = tpu.memref_slice %arg7[%dma_wait3A_379, %dma_wait3A_380, %dma_wait3A_381] : memref<8x64x128xf32, #tpu.memory_space<vmem>> -> memref<1x64x128xf32, #tpu.memory_space<vmem>>
      %dma_wait3A_383 = tpu.memref_squeeze %dma_wait3A_382 : memref<1x64x128xf32, #tpu.memory_space<vmem>> -> memref<64x128xf32, #tpu.memory_space<vmem>>
      %dma_wait3A_384 = tpu.memref_slice %arg6[%mul3A_378] : memref<13312xi32, #tpu.memory_space<vmem>> -> memref<64xi32, #tpu.memory_space<vmem>>
      %dma_wait3A_385 = arith.constant 0 : i32
      %dma_wait3A_386 = arith.constant 0 : i32
      %dma_wait3A_387 = tpu.memref_slice %arg5[%dma_wait3A_385, %dma_wait3A_386] : memref<824x128xf32, #tpu.memory_space<vmem_shared>> -> memref<824x128xf32, #tpu.memory_space<vmem_shared>>
      tpu.wait_indirect_dma semaphore(%arg12 : memref<!tpu.dma_semaphore, #tpu.memory_space<semaphore_mem>>) src(%dma_wait3A_387 : memref<824x128xf32, #tpu.memory_space<vmem_shared>>) dst(%dma_wait3A_383 : memref<64x128xf32, #tpu.memory_space<vmem>>)
      %mul3A_388 = arith.constant 16384 : i32
      %mul3A_389 = arith.muli %scan3A_240, %mul3A_388 : i32
      %mul3A_390 = arith.constant 512 : i32
      %mul3A_391 = arith.muli %add3A, %mul3A_390 : i32
      %add3A_392 = arith.addi %mul3A_389, %mul3A_391 : i32
      %add3A_393 = arith.constant 256 : i32
      %add3A_394 = arith.addi %add3A_392, %add3A_393 : i32
      %dma_start3A_395 = arith.constant 4 : i32
      %dma_start3A_396 = arith.constant 0 : i32
      %dma_start3A_397 = arith.constant 0 : i32
      %dma_start3A_398 = tpu.memref_slice %arg7[%dma_start3A_395, %dma_start3A_396, %dma_start3A_397] : memref<8x64x128xf32, #tpu.memory_space<vmem>> -> memref<1x64x128xf32, #tpu.memory_space<vmem>>
      %dma_start3A_399 = tpu.memref_squeeze %dma_start3A_398 : memref<1x64x128xf32, #tpu.memory_space<vmem>> -> memref<64x128xf32, #tpu.memory_space<vmem>>
      %dma_start3A_400 = arith.constant 0 : i32
      %dma_start3A_401 = tpu.memref_slice %arg4[%add3A_394, %dma_start3A_400] : memref<425984x128xf32, #tpu.memory_space<hbm>> -> memref<64x128xf32, #tpu.memory_space<hbm>>
      %dma_start3A_402 = arith.constant 0 : i32
      %dma_start3A_403 = tpu.memref_slice %arg4[%add3A_394, %dma_start3A_402] : memref<425984x128xf32, #tpu.memory_space<hbm>> -> memref<64x128xf32, #tpu.memory_space<hbm>>
      %dma_start3A_404 = arith.constant 0 : i32
      %dma_start3A_405 = arith.constant 0 : i32
      %dma_start3A_406 = tpu.memref_slice %arg7[%dma_start3A_395, %dma_start3A_404, %dma_start3A_405] : memref<8x64x128xf32, #tpu.memory_space<vmem>> -> memref<1x64x128xf32, #tpu.memory_space<vmem>>
      %dma_start3A_407 = tpu.memref_squeeze %dma_start3A_406 : memref<1x64x128xf32, #tpu.memory_space<vmem>> -> memref<64x128xf32, #tpu.memory_space<vmem>>
      tpu.enqueue_dma source(%dma_start3A_407 : memref<64x128xf32, #tpu.memory_space<vmem>>) target(%dma_start3A_403 : memref<64x128xf32, #tpu.memory_space<hbm>>) target_semaphore(%arg20 : memref<!tpu.dma_semaphore, #tpu.memory_space<semaphore_mem>>)
      %add3A_408 = arith.constant 5 : i32
      %add3A_409 = arith.addi %mul3A_242, %add3A_408 : i32
      %mul3A_410 = arith.constant 64 : i32
      %mul3A_411 = arith.muli %add3A_409, %mul3A_410 : i32
      %dma_wait3A_412 = arith.constant 5 : i32
      %dma_wait3A_413 = arith.constant 0 : i32
      %dma_wait3A_414 = arith.constant 0 : i32
      %dma_wait3A_415 = tpu.memref_slice %arg7[%dma_wait3A_412, %dma_wait3A_413, %dma_wait3A_414] : memref<8x64x128xf32, #tpu.memory_space<vmem>> -> memref<1x64x128xf32, #tpu.memory_space<vmem>>
      %dma_wait3A_416 = tpu.memref_squeeze %dma_wait3A_415 : memref<1x64x128xf32, #tpu.memory_space<vmem>> -> memref<64x128xf32, #tpu.memory_space<vmem>>
      %dma_wait3A_417 = tpu.memref_slice %arg6[%mul3A_411] : memref<13312xi32, #tpu.memory_space<vmem>> -> memref<64xi32, #tpu.memory_space<vmem>>
      %dma_wait3A_418 = arith.constant 0 : i32
      %dma_wait3A_419 = arith.constant 0 : i32
      %dma_wait3A_420 = tpu.memref_slice %arg5[%dma_wait3A_418, %dma_wait3A_419] : memref<824x128xf32, #tpu.memory_space<vmem_shared>> -> memref<824x128xf32, #tpu.memory_space<vmem_shared>>
      tpu.wait_indirect_dma semaphore(%arg13 : memref<!tpu.dma_semaphore, #tpu.memory_space<semaphore_mem>>) src(%dma_wait3A_420 : memref<824x128xf32, #tpu.memory_space<vmem_shared>>) dst(%dma_wait3A_416 : memref<64x128xf32, #tpu.memory_space<vmem>>)
      %mul3A_421 = arith.constant 16384 : i32
      %mul3A_422 = arith.muli %scan3A_240, %mul3A_421 : i32
      %mul3A_423 = arith.constant 512 : i32
      %mul3A_424 = arith.muli %add3A, %mul3A_423 : i32
      %add3A_425 = arith.addi %mul3A_422, %mul3A_424 : i32
      %add3A_426 = arith.constant 320 : i32
      %add3A_427 = arith.addi %add3A_425, %add3A_426 : i32
      %dma_start3A_428 = arith.constant 5 : i32
      %dma_start3A_429 = arith.constant 0 : i32
      %dma_start3A_430 = arith.constant 0 : i32
      %dma_start3A_431 = tpu.memref_slice %arg7[%dma_start3A_428, %dma_start3A_429, %dma_start3A_430] : memref<8x64x128xf32, #tpu.memory_space<vmem>> -> memref<1x64x128xf32, #tpu.memory_space<vmem>>
      %dma_start3A_432 = tpu.memref_squeeze %dma_start3A_431 : memref<1x64x128xf32, #tpu.memory_space<vmem>> -> memref<64x128xf32, #tpu.memory_space<vmem>>
      %dma_start3A_433 = arith.constant 0 : i32
      %dma_start3A_434 = tpu.memref_slice %arg4[%add3A_427, %dma_start3A_433] : memref<425984x128xf32, #tpu.memory_space<hbm>> -> memref<64x128xf32, #tpu.memory_space<hbm>>
      %dma_start3A_435 = arith.constant 0 : i32
      %dma_start3A_436 = tpu.memref_slice %arg4[%add3A_427, %dma_start3A_435] : memref<425984x128xf32, #tpu.memory_space<hbm>> -> memref<64x128xf32, #tpu.memory_space<hbm>>
      %dma_start3A_437 = arith.constant 0 : i32
      %dma_start3A_438 = arith.constant 0 : i32
      %dma_start3A_439 = tpu.memref_slice %arg7[%dma_start3A_428, %dma_start3A_437, %dma_start3A_438] : memref<8x64x128xf32, #tpu.memory_space<vmem>> -> memref<1x64x128xf32, #tpu.memory_space<vmem>>
      %dma_start3A_440 = tpu.memref_squeeze %dma_start3A_439 : memref<1x64x128xf32, #tpu.memory_space<vmem>> -> memref<64x128xf32, #tpu.memory_space<vmem>>
      tpu.enqueue_dma source(%dma_start3A_440 : memref<64x128xf32, #tpu.memory_space<vmem>>) target(%dma_start3A_436 : memref<64x128xf32, #tpu.memory_space<hbm>>) target_semaphore(%arg21 : memref<!tpu.dma_semaphore, #tpu.memory_space<semaphore_mem>>)
      %add3A_441 = arith.constant 6 : i32
      %add3A_442 = arith.addi %mul3A_242, %add3A_441 : i32
      %mul3A_443 = arith.constant 64 : i32
      %mul3A_444 = arith.muli %add3A_442, %mul3A_443 : i32
      %dma_wait3A_445 = arith.constant 6 : i32
      %dma_wait3A_446 = arith.constant 0 : i32
      %dma_wait3A_447 = arith.constant 0 : i32
      %dma_wait3A_448 = tpu.memref_slice %arg7[%dma_wait3A_445, %dma_wait3A_446, %dma_wait3A_447] : memref<8x64x128xf32, #tpu.memory_space<vmem>> -> memref<1x64x128xf32, #tpu.memory_space<vmem>>
      %dma_wait3A_449 = tpu.memref_squeeze %dma_wait3A_448 : memref<1x64x128xf32, #tpu.memory_space<vmem>> -> memref<64x128xf32, #tpu.memory_space<vmem>>
      %dma_wait3A_450 = tpu.memref_slice %arg6[%mul3A_444] : memref<13312xi32, #tpu.memory_space<vmem>> -> memref<64xi32, #tpu.memory_space<vmem>>
      %dma_wait3A_451 = arith.constant 0 : i32
      %dma_wait3A_452 = arith.constant 0 : i32
      %dma_wait3A_453 = tpu.memref_slice %arg5[%dma_wait3A_451, %dma_wait3A_452] : memref<824x128xf32, #tpu.memory_space<vmem_shared>> -> memref<824x128xf32, #tpu.memory_space<vmem_shared>>
      tpu.wait_indirect_dma semaphore(%arg14 : memref<!tpu.dma_semaphore, #tpu.memory_space<semaphore_mem>>) src(%dma_wait3A_453 : memref<824x128xf32, #tpu.memory_space<vmem_shared>>) dst(%dma_wait3A_449 : memref<64x128xf32, #tpu.memory_space<vmem>>)
      %mul3A_454 = arith.constant 16384 : i32
      %mul3A_455 = arith.muli %scan3A_240, %mul3A_454 : i32
      %mul3A_456 = arith.constant 512 : i32
      %mul3A_457 = arith.muli %add3A, %mul3A_456 : i32
      %add3A_458 = arith.addi %mul3A_455, %mul3A_457 : i32
      %add3A_459 = arith.constant 384 : i32
      %add3A_460 = arith.addi %add3A_458, %add3A_459 : i32
      %dma_start3A_461 = arith.constant 6 : i32
      %dma_start3A_462 = arith.constant 0 : i32
      %dma_start3A_463 = arith.constant 0 : i32
      %dma_start3A_464 = tpu.memref_slice %arg7[%dma_start3A_461, %dma_start3A_462, %dma_start3A_463] : memref<8x64x128xf32, #tpu.memory_space<vmem>> -> memref<1x64x128xf32, #tpu.memory_space<vmem>>
      %dma_start3A_465 = tpu.memref_squeeze %dma_start3A_464 : memref<1x64x128xf32, #tpu.memory_space<vmem>> -> memref<64x128xf32, #tpu.memory_space<vmem>>
      %dma_start3A_466 = arith.constant 0 : i32
      %dma_start3A_467 = tpu.memref_slice %arg4[%add3A_460, %dma_start3A_466] : memref<425984x128xf32, #tpu.memory_space<hbm>> -> memref<64x128xf32, #tpu.memory_space<hbm>>
      %dma_start3A_468 = arith.constant 0 : i32
      %dma_start3A_469 = tpu.memref_slice %arg4[%add3A_460, %dma_start3A_468] : memref<425984x128xf32, #tpu.memory_space<hbm>> -> memref<64x128xf32, #tpu.memory_space<hbm>>
      %dma_start3A_470 = arith.constant 0 : i32
      %dma_start3A_471 = arith.constant 0 : i32
      %dma_start3A_472 = tpu.memref_slice %arg7[%dma_start3A_461, %dma_start3A_470, %dma_start3A_471] : memref<8x64x128xf32, #tpu.memory_space<vmem>> -> memref<1x64x128xf32, #tpu.memory_space<vmem>>
      %dma_start3A_473 = tpu.memref_squeeze %dma_start3A_472 : memref<1x64x128xf32, #tpu.memory_space<vmem>> -> memref<64x128xf32, #tpu.memory_space<vmem>>
      tpu.enqueue_dma source(%dma_start3A_473 : memref<64x128xf32, #tpu.memory_space<vmem>>) target(%dma_start3A_469 : memref<64x128xf32, #tpu.memory_space<hbm>>) target_semaphore(%arg22 : memref<!tpu.dma_semaphore, #tpu.memory_space<semaphore_mem>>)
      %add3A_474 = arith.constant 7 : i32
      %add3A_475 = arith.addi %mul3A_242, %add3A_474 : i32
      %mul3A_476 = arith.constant 64 : i32
      %mul3A_477 = arith.muli %add3A_475, %mul3A_476 : i32
      %dma_wait3A_478 = arith.constant 7 : i32
      %dma_wait3A_479 = arith.constant 0 : i32
      %dma_wait3A_480 = arith.constant 0 : i32
      %dma_wait3A_481 = tpu.memref_slice %arg7[%dma_wait3A_478, %dma_wait3A_479, %dma_wait3A_480] : memref<8x64x128xf32, #tpu.memory_space<vmem>> -> memref<1x64x128xf32, #tpu.memory_space<vmem>>
      %dma_wait3A_482 = tpu.memref_squeeze %dma_wait3A_481 : memref<1x64x128xf32, #tpu.memory_space<vmem>> -> memref<64x128xf32, #tpu.memory_space<vmem>>
      %dma_wait3A_483 = tpu.memref_slice %arg6[%mul3A_477] : memref<13312xi32, #tpu.memory_space<vmem>> -> memref<64xi32, #tpu.memory_space<vmem>>
      %dma_wait3A_484 = arith.constant 0 : i32
      %dma_wait3A_485 = arith.constant 0 : i32
      %dma_wait3A_486 = tpu.memref_slice %arg5[%dma_wait3A_484, %dma_wait3A_485] : memref<824x128xf32, #tpu.memory_space<vmem_shared>> -> memref<824x128xf32, #tpu.memory_space<vmem_shared>>
      tpu.wait_indirect_dma semaphore(%arg15 : memref<!tpu.dma_semaphore, #tpu.memory_space<semaphore_mem>>) src(%dma_wait3A_486 : memref<824x128xf32, #tpu.memory_space<vmem_shared>>) dst(%dma_wait3A_482 : memref<64x128xf32, #tpu.memory_space<vmem>>)
      %mul3A_487 = arith.constant 16384 : i32
      %mul3A_488 = arith.muli %scan3A_240, %mul3A_487 : i32
      %mul3A_489 = arith.constant 512 : i32
      %mul3A_490 = arith.muli %add3A, %mul3A_489 : i32
      %add3A_491 = arith.addi %mul3A_488, %mul3A_490 : i32
      %add3A_492 = arith.constant 448 : i32
      %add3A_493 = arith.addi %add3A_491, %add3A_492 : i32
      %dma_start3A_494 = arith.constant 7 : i32
      %dma_start3A_495 = arith.constant 0 : i32
      %dma_start3A_496 = arith.constant 0 : i32
      %dma_start3A_497 = tpu.memref_slice %arg7[%dma_start3A_494, %dma_start3A_495, %dma_start3A_496] : memref<8x64x128xf32, #tpu.memory_space<vmem>> -> memref<1x64x128xf32, #tpu.memory_space<vmem>>
      %dma_start3A_498 = tpu.memref_squeeze %dma_start3A_497 : memref<1x64x128xf32, #tpu.memory_space<vmem>> -> memref<64x128xf32, #tpu.memory_space<vmem>>
      %dma_start3A_499 = arith.constant 0 : i32
      %dma_start3A_500 = tpu.memref_slice %arg4[%add3A_493, %dma_start3A_499] : memref<425984x128xf32, #tpu.memory_space<hbm>> -> memref<64x128xf32, #tpu.memory_space<hbm>>
      %dma_start3A_501 = arith.constant 0 : i32
      %dma_start3A_502 = tpu.memref_slice %arg4[%add3A_493, %dma_start3A_501] : memref<425984x128xf32, #tpu.memory_space<hbm>> -> memref<64x128xf32, #tpu.memory_space<hbm>>
      %dma_start3A_503 = arith.constant 0 : i32
      %dma_start3A_504 = arith.constant 0 : i32
      %dma_start3A_505 = tpu.memref_slice %arg7[%dma_start3A_494, %dma_start3A_503, %dma_start3A_504] : memref<8x64x128xf32, #tpu.memory_space<vmem>> -> memref<1x64x128xf32, #tpu.memory_space<vmem>>
      %dma_start3A_506 = tpu.memref_squeeze %dma_start3A_505 : memref<1x64x128xf32, #tpu.memory_space<vmem>> -> memref<64x128xf32, #tpu.memory_space<vmem>>
      tpu.enqueue_dma source(%dma_start3A_506 : memref<64x128xf32, #tpu.memory_space<vmem>>) target(%dma_start3A_502 : memref<64x128xf32, #tpu.memory_space<hbm>>) target_semaphore(%arg23 : memref<!tpu.dma_semaphore, #tpu.memory_space<semaphore_mem>>)
      %add3A_507 = arith.constant 0 : i32
      %add3A_508 = arith.addi %mul3A_242, %add3A_507 : i32
      %add3A_509 = arith.constant 8 : i32
      %add3A_510 = arith.addi %add3A_508, %add3A_509 : i32
      %lt3A = arith.constant 208 : i32
      %lt3A_511 = arith.cmpi slt, %add3A_510, %lt3A : i32
      %convert_element_type3A_512 = arith.extui %lt3A_511 : i1 to i32
      %cond3A_513 = arith.constant 0 : i32
      %cond3A_514 = arith.cmpi ne, %convert_element_type3A_512, %cond3A_513 : i32
      scf.if %cond3A_514 {
        %mul3A_578 = arith.constant 16384 : i32
        %mul3A_579 = arith.muli %scan3A_240, %mul3A_578 : i32
        %mul3A_580 = arith.constant 512 : i32
        %mul3A_581 = arith.muli %add3A, %mul3A_580 : i32
        %add3A_582 = arith.addi %mul3A_579, %mul3A_581 : i32
        %add3A_583 = arith.constant 0 : i32
        %add3A_584 = arith.addi %add3A_582, %add3A_583 : i32
        %dma_wait3A_585 = arith.constant 0 : i32
        %dma_wait3A_586 = arith.constant 0 : i32
        %dma_wait3A_587 = arith.constant 0 : i32
        %dma_wait3A_588 = tpu.memref_slice %arg7[%dma_wait3A_585, %dma_wait3A_586, %dma_wait3A_587] : memref<8x64x128xf32, #tpu.memory_space<vmem>> -> memref<1x64x128xf32, #tpu.memory_space<vmem>>
        %dma_wait3A_589 = tpu.memref_squeeze %dma_wait3A_588 : memref<1x64x128xf32, #tpu.memory_space<vmem>> -> memref<64x128xf32, #tpu.memory_space<vmem>>
        %dma_wait3A_590 = arith.constant 0 : i32
        %dma_wait3A_591 = tpu.memref_slice %arg4[%add3A_584, %dma_wait3A_590] : memref<425984x128xf32, #tpu.memory_space<hbm>> -> memref<64x128xf32, #tpu.memory_space<hbm>>
        %dma_wait3A_592 = arith.constant 0 : i32
        %dma_wait3A_593 = tpu.memref_slice %arg4[%add3A_584, %dma_wait3A_592] : memref<425984x128xf32, #tpu.memory_space<hbm>> -> memref<64x128xf32, #tpu.memory_space<hbm>>
        %dma_wait3A_594 = arith.constant 0 : i32
        %dma_wait3A_595 = arith.constant 0 : i32
        %dma_wait3A_596 = tpu.memref_slice %arg7[%dma_wait3A_585, %dma_wait3A_594, %dma_wait3A_595] : memref<8x64x128xf32, #tpu.memory_space<vmem>> -> memref<1x64x128xf32, #tpu.memory_space<vmem>>
        %dma_wait3A_597 = tpu.memref_squeeze %dma_wait3A_596 : memref<1x64x128xf32, #tpu.memory_space<vmem>> -> memref<64x128xf32, #tpu.memory_space<vmem>>
        tpu.wait_dma2 semaphore(%arg16 : memref<!tpu.dma_semaphore, #tpu.memory_space<semaphore_mem>>) src(%dma_wait3A_597 : memref<64x128xf32, #tpu.memory_space<vmem>>) dst(%dma_wait3A_593 : memref<64x128xf32, #tpu.memory_space<hbm>>)
        %mul3A_598 = arith.constant 64 : i32
        %mul3A_599 = arith.muli %add3A_510, %mul3A_598 : i32
        %dma_start3A_600 = arith.constant 0 : i32
        %dma_start3A_601 = arith.constant 0 : i32
        %dma_start3A_602 = arith.constant 0 : i32
        %dma_start3A_603 = tpu.memref_slice %arg7[%dma_start3A_600, %dma_start3A_601, %dma_start3A_602] : memref<8x64x128xf32, #tpu.memory_space<vmem>> -> memref<1x64x128xf32, #tpu.memory_space<vmem>>
        %dma_start3A_604 = tpu.memref_squeeze %dma_start3A_603 : memref<1x64x128xf32, #tpu.memory_space<vmem>> -> memref<64x128xf32, #tpu.memory_space<vmem>>
        %dma_start3A_605 = tpu.memref_slice %arg6[%mul3A_599] : memref<13312xi32, #tpu.memory_space<vmem>> -> memref<64xi32, #tpu.memory_space<vmem>>
        %dma_start3A_606 = arith.constant 0 : i32
        %dma_start3A_607 = arith.constant 0 : i32
        %dma_start3A_608 = tpu.memref_slice %arg5[%dma_start3A_606, %dma_start3A_607] : memref<824x128xf32, #tpu.memory_space<vmem_shared>> -> memref<824x128xf32, #tpu.memory_space<vmem_shared>>
        tpu.enqueue_indirect_dma source(%dma_start3A_608 : memref<824x128xf32, #tpu.memory_space<vmem_shared>>) target(%dma_start3A_604 : memref<64x128xf32, #tpu.memory_space<vmem>>) offsets(%dma_start3A_605 : memref<64xi32, #tpu.memory_space<vmem>>) semaphore(%arg8 : memref<!tpu.dma_semaphore, #tpu.memory_space<semaphore_mem>>)
      } else {
      }
      %add3A_515 = arith.constant 1 : i32
      %add3A_516 = arith.addi %mul3A_242, %add3A_515 : i32
      %add3A_517 = arith.constant 8 : i32
      %add3A_518 = arith.addi %add3A_516, %add3A_517 : i32
      %lt3A_519 = arith.constant 208 : i32
      %lt3A_520 = arith.cmpi slt, %add3A_518, %lt3A_519 : i32
      %convert_element_type3A_521 = arith.extui %lt3A_520 : i1 to i32
      %cond3A_522 = arith.constant 0 : i32
      %cond3A_523 = arith.cmpi ne, %convert_element_type3A_521, %cond3A_522 : i32
      scf.if %cond3A_523 {
        %mul3A_578 = arith.constant 16384 : i32
        %mul3A_579 = arith.muli %scan3A_240, %mul3A_578 : i32
        %mul3A_580 = arith.constant 512 : i32
        %mul3A_581 = arith.muli %add3A, %mul3A_580 : i32
        %add3A_582 = arith.addi %mul3A_579, %mul3A_581 : i32
        %add3A_583 = arith.constant 64 : i32
        %add3A_584 = arith.addi %add3A_582, %add3A_583 : i32
        %dma_wait3A_585 = arith.constant 1 : i32
        %dma_wait3A_586 = arith.constant 0 : i32
        %dma_wait3A_587 = arith.constant 0 : i32
        %dma_wait3A_588 = tpu.memref_slice %arg7[%dma_wait3A_585, %dma_wait3A_586, %dma_wait3A_587] : memref<8x64x128xf32, #tpu.memory_space<vmem>> -> memref<1x64x128xf32, #tpu.memory_space<vmem>>
        %dma_wait3A_589 = tpu.memref_squeeze %dma_wait3A_588 : memref<1x64x128xf32, #tpu.memory_space<vmem>> -> memref<64x128xf32, #tpu.memory_space<vmem>>
        %dma_wait3A_590 = arith.constant 0 : i32
        %dma_wait3A_591 = tpu.memref_slice %arg4[%add3A_584, %dma_wait3A_590] : memref<425984x128xf32, #tpu.memory_space<hbm>> -> memref<64x128xf32, #tpu.memory_space<hbm>>
        %dma_wait3A_592 = arith.constant 0 : i32
        %dma_wait3A_593 = tpu.memref_slice %arg4[%add3A_584, %dma_wait3A_592] : memref<425984x128xf32, #tpu.memory_space<hbm>> -> memref<64x128xf32, #tpu.memory_space<hbm>>
        %dma_wait3A_594 = arith.constant 0 : i32
        %dma_wait3A_595 = arith.constant 0 : i32
        %dma_wait3A_596 = tpu.memref_slice %arg7[%dma_wait3A_585, %dma_wait3A_594, %dma_wait3A_595] : memref<8x64x128xf32, #tpu.memory_space<vmem>> -> memref<1x64x128xf32, #tpu.memory_space<vmem>>
        %dma_wait3A_597 = tpu.memref_squeeze %dma_wait3A_596 : memref<1x64x128xf32, #tpu.memory_space<vmem>> -> memref<64x128xf32, #tpu.memory_space<vmem>>
        tpu.wait_dma2 semaphore(%arg17 : memref<!tpu.dma_semaphore, #tpu.memory_space<semaphore_mem>>) src(%dma_wait3A_597 : memref<64x128xf32, #tpu.memory_space<vmem>>) dst(%dma_wait3A_593 : memref<64x128xf32, #tpu.memory_space<hbm>>)
        %mul3A_598 = arith.constant 64 : i32
        %mul3A_599 = arith.muli %add3A_518, %mul3A_598 : i32
        %dma_start3A_600 = arith.constant 1 : i32
        %dma_start3A_601 = arith.constant 0 : i32
        %dma_start3A_602 = arith.constant 0 : i32
        %dma_start3A_603 = tpu.memref_slice %arg7[%dma_start3A_600, %dma_start3A_601, %dma_start3A_602] : memref<8x64x128xf32, #tpu.memory_space<vmem>> -> memref<1x64x128xf32, #tpu.memory_space<vmem>>
        %dma_start3A_604 = tpu.memref_squeeze %dma_start3A_603 : memref<1x64x128xf32, #tpu.memory_space<vmem>> -> memref<64x128xf32, #tpu.memory_space<vmem>>
        %dma_start3A_605 = tpu.memref_slice %arg6[%mul3A_599] : memref<13312xi32, #tpu.memory_space<vmem>> -> memref<64xi32, #tpu.memory_space<vmem>>
        %dma_start3A_606 = arith.constant 0 : i32
        %dma_start3A_607 = arith.constant 0 : i32
        %dma_start3A_608 = tpu.memref_slice %arg5[%dma_start3A_606, %dma_start3A_607] : memref<824x128xf32, #tpu.memory_space<vmem_shared>> -> memref<824x128xf32, #tpu.memory_space<vmem_shared>>
        tpu.enqueue_indirect_dma source(%dma_start3A_608 : memref<824x128xf32, #tpu.memory_space<vmem_shared>>) target(%dma_start3A_604 : memref<64x128xf32, #tpu.memory_space<vmem>>) offsets(%dma_start3A_605 : memref<64xi32, #tpu.memory_space<vmem>>) semaphore(%arg9 : memref<!tpu.dma_semaphore, #tpu.memory_space<semaphore_mem>>)
      } else {
      }
      %add3A_524 = arith.constant 2 : i32
      %add3A_525 = arith.addi %mul3A_242, %add3A_524 : i32
      %add3A_526 = arith.constant 8 : i32
      %add3A_527 = arith.addi %add3A_525, %add3A_526 : i32
      %lt3A_528 = arith.constant 208 : i32
      %lt3A_529 = arith.cmpi slt, %add3A_527, %lt3A_528 : i32
      %convert_element_type3A_530 = arith.extui %lt3A_529 : i1 to i32
      %cond3A_531 = arith.constant 0 : i32
      %cond3A_532 = arith.cmpi ne, %convert_element_type3A_530, %cond3A_531 : i32
      scf.if %cond3A_532 {
        %mul3A_578 = arith.constant 16384 : i32
        %mul3A_579 = arith.muli %scan3A_240, %mul3A_578 : i32
        %mul3A_580 = arith.constant 512 : i32
        %mul3A_581 = arith.muli %add3A, %mul3A_580 : i32
        %add3A_582 = arith.addi %mul3A_579, %mul3A_581 : i32
        %add3A_583 = arith.constant 128 : i32
        %add3A_584 = arith.addi %add3A_582, %add3A_583 : i32
        %dma_wait3A_585 = arith.constant 2 : i32
        %dma_wait3A_586 = arith.constant 0 : i32
        %dma_wait3A_587 = arith.constant 0 : i32
        %dma_wait3A_588 = tpu.memref_slice %arg7[%dma_wait3A_585, %dma_wait3A_586, %dma_wait3A_587] : memref<8x64x128xf32, #tpu.memory_space<vmem>> -> memref<1x64x128xf32, #tpu.memory_space<vmem>>
        %dma_wait3A_589 = tpu.memref_squeeze %dma_wait3A_588 : memref<1x64x128xf32, #tpu.memory_space<vmem>> -> memref<64x128xf32, #tpu.memory_space<vmem>>
        %dma_wait3A_590 = arith.constant 0 : i32
        %dma_wait3A_591 = tpu.memref_slice %arg4[%add3A_584, %dma_wait3A_590] : memref<425984x128xf32, #tpu.memory_space<hbm>> -> memref<64x128xf32, #tpu.memory_space<hbm>>
        %dma_wait3A_592 = arith.constant 0 : i32
        %dma_wait3A_593 = tpu.memref_slice %arg4[%add3A_584, %dma_wait3A_592] : memref<425984x128xf32, #tpu.memory_space<hbm>> -> memref<64x128xf32, #tpu.memory_space<hbm>>
        %dma_wait3A_594 = arith.constant 0 : i32
        %dma_wait3A_595 = arith.constant 0 : i32
        %dma_wait3A_596 = tpu.memref_slice %arg7[%dma_wait3A_585, %dma_wait3A_594, %dma_wait3A_595] : memref<8x64x128xf32, #tpu.memory_space<vmem>> -> memref<1x64x128xf32, #tpu.memory_space<vmem>>
        %dma_wait3A_597 = tpu.memref_squeeze %dma_wait3A_596 : memref<1x64x128xf32, #tpu.memory_space<vmem>> -> memref<64x128xf32, #tpu.memory_space<vmem>>
        tpu.wait_dma2 semaphore(%arg18 : memref<!tpu.dma_semaphore, #tpu.memory_space<semaphore_mem>>) src(%dma_wait3A_597 : memref<64x128xf32, #tpu.memory_space<vmem>>) dst(%dma_wait3A_593 : memref<64x128xf32, #tpu.memory_space<hbm>>)
        %mul3A_598 = arith.constant 64 : i32
        %mul3A_599 = arith.muli %add3A_527, %mul3A_598 : i32
        %dma_start3A_600 = arith.constant 2 : i32
        %dma_start3A_601 = arith.constant 0 : i32
        %dma_start3A_602 = arith.constant 0 : i32
        %dma_start3A_603 = tpu.memref_slice %arg7[%dma_start3A_600, %dma_start3A_601, %dma_start3A_602] : memref<8x64x128xf32, #tpu.memory_space<vmem>> -> memref<1x64x128xf32, #tpu.memory_space<vmem>>
        %dma_start3A_604 = tpu.memref_squeeze %dma_start3A_603 : memref<1x64x128xf32, #tpu.memory_space<vmem>> -> memref<64x128xf32, #tpu.memory_space<vmem>>
        %dma_start3A_605 = tpu.memref_slice %arg6[%mul3A_599] : memref<13312xi32, #tpu.memory_space<vmem>> -> memref<64xi32, #tpu.memory_space<vmem>>
        %dma_start3A_606 = arith.constant 0 : i32
        %dma_start3A_607 = arith.constant 0 : i32
        %dma_start3A_608 = tpu.memref_slice %arg5[%dma_start3A_606, %dma_start3A_607] : memref<824x128xf32, #tpu.memory_space<vmem_shared>> -> memref<824x128xf32, #tpu.memory_space<vmem_shared>>
        tpu.enqueue_indirect_dma source(%dma_start3A_608 : memref<824x128xf32, #tpu.memory_space<vmem_shared>>) target(%dma_start3A_604 : memref<64x128xf32, #tpu.memory_space<vmem>>) offsets(%dma_start3A_605 : memref<64xi32, #tpu.memory_space<vmem>>) semaphore(%arg10 : memref<!tpu.dma_semaphore, #tpu.memory_space<semaphore_mem>>)
      } else {
      }
      %add3A_533 = arith.constant 3 : i32
      %add3A_534 = arith.addi %mul3A_242, %add3A_533 : i32
      %add3A_535 = arith.constant 8 : i32
      %add3A_536 = arith.addi %add3A_534, %add3A_535 : i32
      %lt3A_537 = arith.constant 208 : i32
      %lt3A_538 = arith.cmpi slt, %add3A_536, %lt3A_537 : i32
      %convert_element_type3A_539 = arith.extui %lt3A_538 : i1 to i32
      %cond3A_540 = arith.constant 0 : i32
      %cond3A_541 = arith.cmpi ne, %convert_element_type3A_539, %cond3A_540 : i32
      scf.if %cond3A_541 {
        %mul3A_578 = arith.constant 16384 : i32
        %mul3A_579 = arith.muli %scan3A_240, %mul3A_578 : i32
        %mul3A_580 = arith.constant 512 : i32
        %mul3A_581 = arith.muli %add3A, %mul3A_580 : i32
        %add3A_582 = arith.addi %mul3A_579, %mul3A_581 : i32
        %add3A_583 = arith.constant 192 : i32
        %add3A_584 = arith.addi %add3A_582, %add3A_583 : i32
        %dma_wait3A_585 = arith.constant 3 : i32
        %dma_wait3A_586 = arith.constant 0 : i32
        %dma_wait3A_587 = arith.constant 0 : i32
        %dma_wait3A_588 = tpu.memref_slice %arg7[%dma_wait3A_585, %dma_wait3A_586, %dma_wait3A_587] : memref<8x64x128xf32, #tpu.memory_space<vmem>> -> memref<1x64x128xf32, #tpu.memory_space<vmem>>
        %dma_wait3A_589 = tpu.memref_squeeze %dma_wait3A_588 : memref<1x64x128xf32, #tpu.memory_space<vmem>> -> memref<64x128xf32, #tpu.memory_space<vmem>>
        %dma_wait3A_590 = arith.constant 0 : i32
        %dma_wait3A_591 = tpu.memref_slice %arg4[%add3A_584, %dma_wait3A_590] : memref<425984x128xf32, #tpu.memory_space<hbm>> -> memref<64x128xf32, #tpu.memory_space<hbm>>
        %dma_wait3A_592 = arith.constant 0 : i32
        %dma_wait3A_593 = tpu.memref_slice %arg4[%add3A_584, %dma_wait3A_592] : memref<425984x128xf32, #tpu.memory_space<hbm>> -> memref<64x128xf32, #tpu.memory_space<hbm>>
        %dma_wait3A_594 = arith.constant 0 : i32
        %dma_wait3A_595 = arith.constant 0 : i32
        %dma_wait3A_596 = tpu.memref_slice %arg7[%dma_wait3A_585, %dma_wait3A_594, %dma_wait3A_595] : memref<8x64x128xf32, #tpu.memory_space<vmem>> -> memref<1x64x128xf32, #tpu.memory_space<vmem>>
        %dma_wait3A_597 = tpu.memref_squeeze %dma_wait3A_596 : memref<1x64x128xf32, #tpu.memory_space<vmem>> -> memref<64x128xf32, #tpu.memory_space<vmem>>
        tpu.wait_dma2 semaphore(%arg19 : memref<!tpu.dma_semaphore, #tpu.memory_space<semaphore_mem>>) src(%dma_wait3A_597 : memref<64x128xf32, #tpu.memory_space<vmem>>) dst(%dma_wait3A_593 : memref<64x128xf32, #tpu.memory_space<hbm>>)
        %mul3A_598 = arith.constant 64 : i32
        %mul3A_599 = arith.muli %add3A_536, %mul3A_598 : i32
        %dma_start3A_600 = arith.constant 3 : i32
        %dma_start3A_601 = arith.constant 0 : i32
        %dma_start3A_602 = arith.constant 0 : i32
        %dma_start3A_603 = tpu.memref_slice %arg7[%dma_start3A_600, %dma_start3A_601, %dma_start3A_602] : memref<8x64x128xf32, #tpu.memory_space<vmem>> -> memref<1x64x128xf32, #tpu.memory_space<vmem>>
        %dma_start3A_604 = tpu.memref_squeeze %dma_start3A_603 : memref<1x64x128xf32, #tpu.memory_space<vmem>> -> memref<64x128xf32, #tpu.memory_space<vmem>>
        %dma_start3A_605 = tpu.memref_slice %arg6[%mul3A_599] : memref<13312xi32, #tpu.memory_space<vmem>> -> memref<64xi32, #tpu.memory_space<vmem>>
        %dma_start3A_606 = arith.constant 0 : i32
        %dma_start3A_607 = arith.constant 0 : i32
        %dma_start3A_608 = tpu.memref_slice %arg5[%dma_start3A_606, %dma_start3A_607] : memref<824x128xf32, #tpu.memory_space<vmem_shared>> -> memref<824x128xf32, #tpu.memory_space<vmem_shared>>
        tpu.enqueue_indirect_dma source(%dma_start3A_608 : memref<824x128xf32, #tpu.memory_space<vmem_shared>>) target(%dma_start3A_604 : memref<64x128xf32, #tpu.memory_space<vmem>>) offsets(%dma_start3A_605 : memref<64xi32, #tpu.memory_space<vmem>>) semaphore(%arg11 : memref<!tpu.dma_semaphore, #tpu.memory_space<semaphore_mem>>)
      } else {
      }
      %add3A_542 = arith.constant 4 : i32
      %add3A_543 = arith.addi %mul3A_242, %add3A_542 : i32
      %add3A_544 = arith.constant 8 : i32
      %add3A_545 = arith.addi %add3A_543, %add3A_544 : i32
      %lt3A_546 = arith.constant 208 : i32
      %lt3A_547 = arith.cmpi slt, %add3A_545, %lt3A_546 : i32
      %convert_element_type3A_548 = arith.extui %lt3A_547 : i1 to i32
      %cond3A_549 = arith.constant 0 : i32
      %cond3A_550 = arith.cmpi ne, %convert_element_type3A_548, %cond3A_549 : i32
      scf.if %cond3A_550 {
        %mul3A_578 = arith.constant 16384 : i32
        %mul3A_579 = arith.muli %scan3A_240, %mul3A_578 : i32
        %mul3A_580 = arith.constant 512 : i32
        %mul3A_581 = arith.muli %add3A, %mul3A_580 : i32
        %add3A_582 = arith.addi %mul3A_579, %mul3A_581 : i32
        %add3A_583 = arith.constant 256 : i32
        %add3A_584 = arith.addi %add3A_582, %add3A_583 : i32
        %dma_wait3A_585 = arith.constant 4 : i32
        %dma_wait3A_586 = arith.constant 0 : i32
        %dma_wait3A_587 = arith.constant 0 : i32
        %dma_wait3A_588 = tpu.memref_slice %arg7[%dma_wait3A_585, %dma_wait3A_586, %dma_wait3A_587] : memref<8x64x128xf32, #tpu.memory_space<vmem>> -> memref<1x64x128xf32, #tpu.memory_space<vmem>>
        %dma_wait3A_589 = tpu.memref_squeeze %dma_wait3A_588 : memref<1x64x128xf32, #tpu.memory_space<vmem>> -> memref<64x128xf32, #tpu.memory_space<vmem>>
        %dma_wait3A_590 = arith.constant 0 : i32
        %dma_wait3A_591 = tpu.memref_slice %arg4[%add3A_584, %dma_wait3A_590] : memref<425984x128xf32, #tpu.memory_space<hbm>> -> memref<64x128xf32, #tpu.memory_space<hbm>>
        %dma_wait3A_592 = arith.constant 0 : i32
        %dma_wait3A_593 = tpu.memref_slice %arg4[%add3A_584, %dma_wait3A_592] : memref<425984x128xf32, #tpu.memory_space<hbm>> -> memref<64x128xf32, #tpu.memory_space<hbm>>
        %dma_wait3A_594 = arith.constant 0 : i32
        %dma_wait3A_595 = arith.constant 0 : i32
        %dma_wait3A_596 = tpu.memref_slice %arg7[%dma_wait3A_585, %dma_wait3A_594, %dma_wait3A_595] : memref<8x64x128xf32, #tpu.memory_space<vmem>> -> memref<1x64x128xf32, #tpu.memory_space<vmem>>
        %dma_wait3A_597 = tpu.memref_squeeze %dma_wait3A_596 : memref<1x64x128xf32, #tpu.memory_space<vmem>> -> memref<64x128xf32, #tpu.memory_space<vmem>>
        tpu.wait_dma2 semaphore(%arg20 : memref<!tpu.dma_semaphore, #tpu.memory_space<semaphore_mem>>) src(%dma_wait3A_597 : memref<64x128xf32, #tpu.memory_space<vmem>>) dst(%dma_wait3A_593 : memref<64x128xf32, #tpu.memory_space<hbm>>)
        %mul3A_598 = arith.constant 64 : i32
        %mul3A_599 = arith.muli %add3A_545, %mul3A_598 : i32
        %dma_start3A_600 = arith.constant 4 : i32
        %dma_start3A_601 = arith.constant 0 : i32
        %dma_start3A_602 = arith.constant 0 : i32
        %dma_start3A_603 = tpu.memref_slice %arg7[%dma_start3A_600, %dma_start3A_601, %dma_start3A_602] : memref<8x64x128xf32, #tpu.memory_space<vmem>> -> memref<1x64x128xf32, #tpu.memory_space<vmem>>
        %dma_start3A_604 = tpu.memref_squeeze %dma_start3A_603 : memref<1x64x128xf32, #tpu.memory_space<vmem>> -> memref<64x128xf32, #tpu.memory_space<vmem>>
        %dma_start3A_605 = tpu.memref_slice %arg6[%mul3A_599] : memref<13312xi32, #tpu.memory_space<vmem>> -> memref<64xi32, #tpu.memory_space<vmem>>
        %dma_start3A_606 = arith.constant 0 : i32
        %dma_start3A_607 = arith.constant 0 : i32
        %dma_start3A_608 = tpu.memref_slice %arg5[%dma_start3A_606, %dma_start3A_607] : memref<824x128xf32, #tpu.memory_space<vmem_shared>> -> memref<824x128xf32, #tpu.memory_space<vmem_shared>>
        tpu.enqueue_indirect_dma source(%dma_start3A_608 : memref<824x128xf32, #tpu.memory_space<vmem_shared>>) target(%dma_start3A_604 : memref<64x128xf32, #tpu.memory_space<vmem>>) offsets(%dma_start3A_605 : memref<64xi32, #tpu.memory_space<vmem>>) semaphore(%arg12 : memref<!tpu.dma_semaphore, #tpu.memory_space<semaphore_mem>>)
      } else {
      }
      %add3A_551 = arith.constant 5 : i32
      %add3A_552 = arith.addi %mul3A_242, %add3A_551 : i32
      %add3A_553 = arith.constant 8 : i32
      %add3A_554 = arith.addi %add3A_552, %add3A_553 : i32
      %lt3A_555 = arith.constant 208 : i32
      %lt3A_556 = arith.cmpi slt, %add3A_554, %lt3A_555 : i32
      %convert_element_type3A_557 = arith.extui %lt3A_556 : i1 to i32
      %cond3A_558 = arith.constant 0 : i32
      %cond3A_559 = arith.cmpi ne, %convert_element_type3A_557, %cond3A_558 : i32
      scf.if %cond3A_559 {
        %mul3A_578 = arith.constant 16384 : i32
        %mul3A_579 = arith.muli %scan3A_240, %mul3A_578 : i32
        %mul3A_580 = arith.constant 512 : i32
        %mul3A_581 = arith.muli %add3A, %mul3A_580 : i32
        %add3A_582 = arith.addi %mul3A_579, %mul3A_581 : i32
        %add3A_583 = arith.constant 320 : i32
        %add3A_584 = arith.addi %add3A_582, %add3A_583 : i32
        %dma_wait3A_585 = arith.constant 5 : i32
        %dma_wait3A_586 = arith.constant 0 : i32
        %dma_wait3A_587 = arith.constant 0 : i32
        %dma_wait3A_588 = tpu.memref_slice %arg7[%dma_wait3A_585, %dma_wait3A_586, %dma_wait3A_587] : memref<8x64x128xf32, #tpu.memory_space<vmem>> -> memref<1x64x128xf32, #tpu.memory_space<vmem>>
        %dma_wait3A_589 = tpu.memref_squeeze %dma_wait3A_588 : memref<1x64x128xf32, #tpu.memory_space<vmem>> -> memref<64x128xf32, #tpu.memory_space<vmem>>
        %dma_wait3A_590 = arith.constant 0 : i32
        %dma_wait3A_591 = tpu.memref_slice %arg4[%add3A_584, %dma_wait3A_590] : memref<425984x128xf32, #tpu.memory_space<hbm>> -> memref<64x128xf32, #tpu.memory_space<hbm>>
        %dma_wait3A_592 = arith.constant 0 : i32
        %dma_wait3A_593 = tpu.memref_slice %arg4[%add3A_584, %dma_wait3A_592] : memref<425984x128xf32, #tpu.memory_space<hbm>> -> memref<64x128xf32, #tpu.memory_space<hbm>>
        %dma_wait3A_594 = arith.constant 0 : i32
        %dma_wait3A_595 = arith.constant 0 : i32
        %dma_wait3A_596 = tpu.memref_slice %arg7[%dma_wait3A_585, %dma_wait3A_594, %dma_wait3A_595] : memref<8x64x128xf32, #tpu.memory_space<vmem>> -> memref<1x64x128xf32, #tpu.memory_space<vmem>>
        %dma_wait3A_597 = tpu.memref_squeeze %dma_wait3A_596 : memref<1x64x128xf32, #tpu.memory_space<vmem>> -> memref<64x128xf32, #tpu.memory_space<vmem>>
        tpu.wait_dma2 semaphore(%arg21 : memref<!tpu.dma_semaphore, #tpu.memory_space<semaphore_mem>>) src(%dma_wait3A_597 : memref<64x128xf32, #tpu.memory_space<vmem>>) dst(%dma_wait3A_593 : memref<64x128xf32, #tpu.memory_space<hbm>>)
        %mul3A_598 = arith.constant 64 : i32
        %mul3A_599 = arith.muli %add3A_554, %mul3A_598 : i32
        %dma_start3A_600 = arith.constant 5 : i32
        %dma_start3A_601 = arith.constant 0 : i32
        %dma_start3A_602 = arith.constant 0 : i32
        %dma_start3A_603 = tpu.memref_slice %arg7[%dma_start3A_600, %dma_start3A_601, %dma_start3A_602] : memref<8x64x128xf32, #tpu.memory_space<vmem>> -> memref<1x64x128xf32, #tpu.memory_space<vmem>>
        %dma_start3A_604 = tpu.memref_squeeze %dma_start3A_603 : memref<1x64x128xf32, #tpu.memory_space<vmem>> -> memref<64x128xf32, #tpu.memory_space<vmem>>
        %dma_start3A_605 = tpu.memref_slice %arg6[%mul3A_599] : memref<13312xi32, #tpu.memory_space<vmem>> -> memref<64xi32, #tpu.memory_space<vmem>>
        %dma_start3A_606 = arith.constant 0 : i32
        %dma_start3A_607 = arith.constant 0 : i32
        %dma_start3A_608 = tpu.memref_slice %arg5[%dma_start3A_606, %dma_start3A_607] : memref<824x128xf32, #tpu.memory_space<vmem_shared>> -> memref<824x128xf32, #tpu.memory_space<vmem_shared>>
        tpu.enqueue_indirect_dma source(%dma_start3A_608 : memref<824x128xf32, #tpu.memory_space<vmem_shared>>) target(%dma_start3A_604 : memref<64x128xf32, #tpu.memory_space<vmem>>) offsets(%dma_start3A_605 : memref<64xi32, #tpu.memory_space<vmem>>) semaphore(%arg13 : memref<!tpu.dma_semaphore, #tpu.memory_space<semaphore_mem>>)
      } else {
      }
      %add3A_560 = arith.constant 6 : i32
      %add3A_561 = arith.addi %mul3A_242, %add3A_560 : i32
      %add3A_562 = arith.constant 8 : i32
      %add3A_563 = arith.addi %add3A_561, %add3A_562 : i32
      %lt3A_564 = arith.constant 208 : i32
      %lt3A_565 = arith.cmpi slt, %add3A_563, %lt3A_564 : i32
      %convert_element_type3A_566 = arith.extui %lt3A_565 : i1 to i32
      %cond3A_567 = arith.constant 0 : i32
      %cond3A_568 = arith.cmpi ne, %convert_element_type3A_566, %cond3A_567 : i32
      scf.if %cond3A_568 {
        %mul3A_578 = arith.constant 16384 : i32
        %mul3A_579 = arith.muli %scan3A_240, %mul3A_578 : i32
        %mul3A_580 = arith.constant 512 : i32
        %mul3A_581 = arith.muli %add3A, %mul3A_580 : i32
        %add3A_582 = arith.addi %mul3A_579, %mul3A_581 : i32
        %add3A_583 = arith.constant 384 : i32
        %add3A_584 = arith.addi %add3A_582, %add3A_583 : i32
        %dma_wait3A_585 = arith.constant 6 : i32
        %dma_wait3A_586 = arith.constant 0 : i32
        %dma_wait3A_587 = arith.constant 0 : i32
        %dma_wait3A_588 = tpu.memref_slice %arg7[%dma_wait3A_585, %dma_wait3A_586, %dma_wait3A_587] : memref<8x64x128xf32, #tpu.memory_space<vmem>> -> memref<1x64x128xf32, #tpu.memory_space<vmem>>
        %dma_wait3A_589 = tpu.memref_squeeze %dma_wait3A_588 : memref<1x64x128xf32, #tpu.memory_space<vmem>> -> memref<64x128xf32, #tpu.memory_space<vmem>>
        %dma_wait3A_590 = arith.constant 0 : i32
        %dma_wait3A_591 = tpu.memref_slice %arg4[%add3A_584, %dma_wait3A_590] : memref<425984x128xf32, #tpu.memory_space<hbm>> -> memref<64x128xf32, #tpu.memory_space<hbm>>
        %dma_wait3A_592 = arith.constant 0 : i32
        %dma_wait3A_593 = tpu.memref_slice %arg4[%add3A_584, %dma_wait3A_592] : memref<425984x128xf32, #tpu.memory_space<hbm>> -> memref<64x128xf32, #tpu.memory_space<hbm>>
        %dma_wait3A_594 = arith.constant 0 : i32
        %dma_wait3A_595 = arith.constant 0 : i32
        %dma_wait3A_596 = tpu.memref_slice %arg7[%dma_wait3A_585, %dma_wait3A_594, %dma_wait3A_595] : memref<8x64x128xf32, #tpu.memory_space<vmem>> -> memref<1x64x128xf32, #tpu.memory_space<vmem>>
        %dma_wait3A_597 = tpu.memref_squeeze %dma_wait3A_596 : memref<1x64x128xf32, #tpu.memory_space<vmem>> -> memref<64x128xf32, #tpu.memory_space<vmem>>
        tpu.wait_dma2 semaphore(%arg22 : memref<!tpu.dma_semaphore, #tpu.memory_space<semaphore_mem>>) src(%dma_wait3A_597 : memref<64x128xf32, #tpu.memory_space<vmem>>) dst(%dma_wait3A_593 : memref<64x128xf32, #tpu.memory_space<hbm>>)
        %mul3A_598 = arith.constant 64 : i32
        %mul3A_599 = arith.muli %add3A_563, %mul3A_598 : i32
        %dma_start3A_600 = arith.constant 6 : i32
        %dma_start3A_601 = arith.constant 0 : i32
        %dma_start3A_602 = arith.constant 0 : i32
        %dma_start3A_603 = tpu.memref_slice %arg7[%dma_start3A_600, %dma_start3A_601, %dma_start3A_602] : memref<8x64x128xf32, #tpu.memory_space<vmem>> -> memref<1x64x128xf32, #tpu.memory_space<vmem>>
        %dma_start3A_604 = tpu.memref_squeeze %dma_start3A_603 : memref<1x64x128xf32, #tpu.memory_space<vmem>> -> memref<64x128xf32, #tpu.memory_space<vmem>>
        %dma_start3A_605 = tpu.memref_slice %arg6[%mul3A_599] : memref<13312xi32, #tpu.memory_space<vmem>> -> memref<64xi32, #tpu.memory_space<vmem>>
        %dma_start3A_606 = arith.constant 0 : i32
        %dma_start3A_607 = arith.constant 0 : i32
        %dma_start3A_608 = tpu.memref_slice %arg5[%dma_start3A_606, %dma_start3A_607] : memref<824x128xf32, #tpu.memory_space<vmem_shared>> -> memref<824x128xf32, #tpu.memory_space<vmem_shared>>
        tpu.enqueue_indirect_dma source(%dma_start3A_608 : memref<824x128xf32, #tpu.memory_space<vmem_shared>>) target(%dma_start3A_604 : memref<64x128xf32, #tpu.memory_space<vmem>>) offsets(%dma_start3A_605 : memref<64xi32, #tpu.memory_space<vmem>>) semaphore(%arg14 : memref<!tpu.dma_semaphore, #tpu.memory_space<semaphore_mem>>)
      } else {
      }
      %add3A_569 = arith.constant 7 : i32
      %add3A_570 = arith.addi %mul3A_242, %add3A_569 : i32
      %add3A_571 = arith.constant 8 : i32
      %add3A_572 = arith.addi %add3A_570, %add3A_571 : i32
      %lt3A_573 = arith.constant 208 : i32
      %lt3A_574 = arith.cmpi slt, %add3A_572, %lt3A_573 : i32
      %convert_element_type3A_575 = arith.extui %lt3A_574 : i1 to i32
      %cond3A_576 = arith.constant 0 : i32
      %cond3A_577 = arith.cmpi ne, %convert_element_type3A_575, %cond3A_576 : i32
      scf.if %cond3A_577 {
        %mul3A_578 = arith.constant 16384 : i32
        %mul3A_579 = arith.muli %scan3A_240, %mul3A_578 : i32
        %mul3A_580 = arith.constant 512 : i32
        %mul3A_581 = arith.muli %add3A, %mul3A_580 : i32
        %add3A_582 = arith.addi %mul3A_579, %mul3A_581 : i32
        %add3A_583 = arith.constant 448 : i32
        %add3A_584 = arith.addi %add3A_582, %add3A_583 : i32
        %dma_wait3A_585 = arith.constant 7 : i32
        %dma_wait3A_586 = arith.constant 0 : i32
        %dma_wait3A_587 = arith.constant 0 : i32
        %dma_wait3A_588 = tpu.memref_slice %arg7[%dma_wait3A_585, %dma_wait3A_586, %dma_wait3A_587] : memref<8x64x128xf32, #tpu.memory_space<vmem>> -> memref<1x64x128xf32, #tpu.memory_space<vmem>>
        %dma_wait3A_589 = tpu.memref_squeeze %dma_wait3A_588 : memref<1x64x128xf32, #tpu.memory_space<vmem>> -> memref<64x128xf32, #tpu.memory_space<vmem>>
        %dma_wait3A_590 = arith.constant 0 : i32
        %dma_wait3A_591 = tpu.memref_slice %arg4[%add3A_584, %dma_wait3A_590] : memref<425984x128xf32, #tpu.memory_space<hbm>> -> memref<64x128xf32, #tpu.memory_space<hbm>>
        %dma_wait3A_592 = arith.constant 0 : i32
        %dma_wait3A_593 = tpu.memref_slice %arg4[%add3A_584, %dma_wait3A_592] : memref<425984x128xf32, #tpu.memory_space<hbm>> -> memref<64x128xf32, #tpu.memory_space<hbm>>
        %dma_wait3A_594 = arith.constant 0 : i32
        %dma_wait3A_595 = arith.constant 0 : i32
        %dma_wait3A_596 = tpu.memref_slice %arg7[%dma_wait3A_585, %dma_wait3A_594, %dma_wait3A_595] : memref<8x64x128xf32, #tpu.memory_space<vmem>> -> memref<1x64x128xf32, #tpu.memory_space<vmem>>
        %dma_wait3A_597 = tpu.memref_squeeze %dma_wait3A_596 : memref<1x64x128xf32, #tpu.memory_space<vmem>> -> memref<64x128xf32, #tpu.memory_space<vmem>>
        tpu.wait_dma2 semaphore(%arg23 : memref<!tpu.dma_semaphore, #tpu.memory_space<semaphore_mem>>) src(%dma_wait3A_597 : memref<64x128xf32, #tpu.memory_space<vmem>>) dst(%dma_wait3A_593 : memref<64x128xf32, #tpu.memory_space<hbm>>)
        %mul3A_598 = arith.constant 64 : i32
        %mul3A_599 = arith.muli %add3A_572, %mul3A_598 : i32
        %dma_start3A_600 = arith.constant 7 : i32
        %dma_start3A_601 = arith.constant 0 : i32
        %dma_start3A_602 = arith.constant 0 : i32
        %dma_start3A_603 = tpu.memref_slice %arg7[%dma_start3A_600, %dma_start3A_601, %dma_start3A_602] : memref<8x64x128xf32, #tpu.memory_space<vmem>> -> memref<1x64x128xf32, #tpu.memory_space<vmem>>
        %dma_start3A_604 = tpu.memref_squeeze %dma_start3A_603 : memref<1x64x128xf32, #tpu.memory_space<vmem>> -> memref<64x128xf32, #tpu.memory_space<vmem>>
        %dma_start3A_605 = tpu.memref_slice %arg6[%mul3A_599] : memref<13312xi32, #tpu.memory_space<vmem>> -> memref<64xi32, #tpu.memory_space<vmem>>
        %dma_start3A_606 = arith.constant 0 : i32
        %dma_start3A_607 = arith.constant 0 : i32
        %dma_start3A_608 = tpu.memref_slice %arg5[%dma_start3A_606, %dma_start3A_607] : memref<824x128xf32, #tpu.memory_space<vmem_shared>> -> memref<824x128xf32, #tpu.memory_space<vmem_shared>>
        tpu.enqueue_indirect_dma source(%dma_start3A_608 : memref<824x128xf32, #tpu.memory_space<vmem_shared>>) target(%dma_start3A_604 : memref<64x128xf32, #tpu.memory_space<vmem>>) offsets(%dma_start3A_605 : memref<64xi32, #tpu.memory_space<vmem>>) semaphore(%arg15 : memref<!tpu.dma_semaphore, #tpu.memory_space<semaphore_mem>>)
      } else {
      }
    }
    %scan3A_88 = arith.constant 26 : i32
    %mul3A_89 = arith.constant 512 : i32
    %mul3A_90 = arith.muli %add3A, %mul3A_89 : i32
    %add3A_91 = arith.constant 409600 : i32
    %add3A_92 = arith.addi %add3A_91, %mul3A_90 : i32
    %add3A_93 = arith.constant 0 : i32
    %add3A_94 = arith.addi %add3A_92, %add3A_93 : i32
    %dma_wait3A = arith.constant 0 : i32
    %dma_wait3A_95 = arith.constant 0 : i32
    %dma_wait3A_96 = arith.constant 0 : i32
    %dma_wait3A_97 = tpu.memref_slice %arg7[%dma_wait3A, %dma_wait3A_95, %dma_wait3A_96] : memref<8x64x128xf32, #tpu.memory_space<vmem>> -> memref<1x64x128xf32, #tpu.memory_space<vmem>>
    %dma_wait3A_98 = tpu.memref_squeeze %dma_wait3A_97 : memref<1x64x128xf32, #tpu.memory_space<vmem>> -> memref<64x128xf32, #tpu.memory_space<vmem>>
    %dma_wait3A_99 = arith.constant 0 : i32
    %dma_wait3A_100 = tpu.memref_slice %arg4[%add3A_94, %dma_wait3A_99] : memref<425984x128xf32, #tpu.memory_space<hbm>> -> memref<64x128xf32, #tpu.memory_space<hbm>>
    %dma_wait3A_101 = arith.constant 0 : i32
    %dma_wait3A_102 = tpu.memref_slice %arg4[%add3A_94, %dma_wait3A_101] : memref<425984x128xf32, #tpu.memory_space<hbm>> -> memref<64x128xf32, #tpu.memory_space<hbm>>
    %dma_wait3A_103 = arith.constant 0 : i32
    %dma_wait3A_104 = arith.constant 0 : i32
    %dma_wait3A_105 = tpu.memref_slice %arg7[%dma_wait3A, %dma_wait3A_103, %dma_wait3A_104] : memref<8x64x128xf32, #tpu.memory_space<vmem>> -> memref<1x64x128xf32, #tpu.memory_space<vmem>>
    %dma_wait3A_106 = tpu.memref_squeeze %dma_wait3A_105 : memref<1x64x128xf32, #tpu.memory_space<vmem>> -> memref<64x128xf32, #tpu.memory_space<vmem>>
    tpu.wait_dma2 semaphore(%arg16 : memref<!tpu.dma_semaphore, #tpu.memory_space<semaphore_mem>>) src(%dma_wait3A_106 : memref<64x128xf32, #tpu.memory_space<vmem>>) dst(%dma_wait3A_102 : memref<64x128xf32, #tpu.memory_space<hbm>>)
    %mul3A_107 = arith.constant 512 : i32
    %mul3A_108 = arith.muli %add3A, %mul3A_107 : i32
    %add3A_109 = arith.constant 409600 : i32
    %add3A_110 = arith.addi %add3A_109, %mul3A_108 : i32
    %add3A_111 = arith.constant 64 : i32
    %add3A_112 = arith.addi %add3A_110, %add3A_111 : i32
    %dma_wait3A_113 = arith.constant 1 : i32
    %dma_wait3A_114 = arith.constant 0 : i32
    %dma_wait3A_115 = arith.constant 0 : i32
    %dma_wait3A_116 = tpu.memref_slice %arg7[%dma_wait3A_113, %dma_wait3A_114, %dma_wait3A_115] : memref<8x64x128xf32, #tpu.memory_space<vmem>> -> memref<1x64x128xf32, #tpu.memory_space<vmem>>
    %dma_wait3A_117 = tpu.memref_squeeze %dma_wait3A_116 : memref<1x64x128xf32, #tpu.memory_space<vmem>> -> memref<64x128xf32, #tpu.memory_space<vmem>>
    %dma_wait3A_118 = arith.constant 0 : i32
    %dma_wait3A_119 = tpu.memref_slice %arg4[%add3A_112, %dma_wait3A_118] : memref<425984x128xf32, #tpu.memory_space<hbm>> -> memref<64x128xf32, #tpu.memory_space<hbm>>
    %dma_wait3A_120 = arith.constant 0 : i32
    %dma_wait3A_121 = tpu.memref_slice %arg4[%add3A_112, %dma_wait3A_120] : memref<425984x128xf32, #tpu.memory_space<hbm>> -> memref<64x128xf32, #tpu.memory_space<hbm>>
    %dma_wait3A_122 = arith.constant 0 : i32
    %dma_wait3A_123 = arith.constant 0 : i32
    %dma_wait3A_124 = tpu.memref_slice %arg7[%dma_wait3A_113, %dma_wait3A_122, %dma_wait3A_123] : memref<8x64x128xf32, #tpu.memory_space<vmem>> -> memref<1x64x128xf32, #tpu.memory_space<vmem>>
    %dma_wait3A_125 = tpu.memref_squeeze %dma_wait3A_124 : memref<1x64x128xf32, #tpu.memory_space<vmem>> -> memref<64x128xf32, #tpu.memory_space<vmem>>
    tpu.wait_dma2 semaphore(%arg17 : memref<!tpu.dma_semaphore, #tpu.memory_space<semaphore_mem>>) src(%dma_wait3A_125 : memref<64x128xf32, #tpu.memory_space<vmem>>) dst(%dma_wait3A_121 : memref<64x128xf32, #tpu.memory_space<hbm>>)
    %mul3A_126 = arith.constant 512 : i32
    %mul3A_127 = arith.muli %add3A, %mul3A_126 : i32
    %add3A_128 = arith.constant 409600 : i32
    %add3A_129 = arith.addi %add3A_128, %mul3A_127 : i32
    %add3A_130 = arith.constant 128 : i32
    %add3A_131 = arith.addi %add3A_129, %add3A_130 : i32
    %dma_wait3A_132 = arith.constant 2 : i32
    %dma_wait3A_133 = arith.constant 0 : i32
    %dma_wait3A_134 = arith.constant 0 : i32
    %dma_wait3A_135 = tpu.memref_slice %arg7[%dma_wait3A_132, %dma_wait3A_133, %dma_wait3A_134] : memref<8x64x128xf32, #tpu.memory_space<vmem>> -> memref<1x64x128xf32, #tpu.memory_space<vmem>>
    %dma_wait3A_136 = tpu.memref_squeeze %dma_wait3A_135 : memref<1x64x128xf32, #tpu.memory_space<vmem>> -> memref<64x128xf32, #tpu.memory_space<vmem>>
    %dma_wait3A_137 = arith.constant 0 : i32
    %dma_wait3A_138 = tpu.memref_slice %arg4[%add3A_131, %dma_wait3A_137] : memref<425984x128xf32, #tpu.memory_space<hbm>> -> memref<64x128xf32, #tpu.memory_space<hbm>>
    %dma_wait3A_139 = arith.constant 0 : i32
    %dma_wait3A_140 = tpu.memref_slice %arg4[%add3A_131, %dma_wait3A_139] : memref<425984x128xf32, #tpu.memory_space<hbm>> -> memref<64x128xf32, #tpu.memory_space<hbm>>
    %dma_wait3A_141 = arith.constant 0 : i32
    %dma_wait3A_142 = arith.constant 0 : i32
    %dma_wait3A_143 = tpu.memref_slice %arg7[%dma_wait3A_132, %dma_wait3A_141, %dma_wait3A_142] : memref<8x64x128xf32, #tpu.memory_space<vmem>> -> memref<1x64x128xf32, #tpu.memory_space<vmem>>
    %dma_wait3A_144 = tpu.memref_squeeze %dma_wait3A_143 : memref<1x64x128xf32, #tpu.memory_space<vmem>> -> memref<64x128xf32, #tpu.memory_space<vmem>>
    tpu.wait_dma2 semaphore(%arg18 : memref<!tpu.dma_semaphore, #tpu.memory_space<semaphore_mem>>) src(%dma_wait3A_144 : memref<64x128xf32, #tpu.memory_space<vmem>>) dst(%dma_wait3A_140 : memref<64x128xf32, #tpu.memory_space<hbm>>)
    %mul3A_145 = arith.constant 512 : i32
    %mul3A_146 = arith.muli %add3A, %mul3A_145 : i32
    %add3A_147 = arith.constant 409600 : i32
    %add3A_148 = arith.addi %add3A_147, %mul3A_146 : i32
    %add3A_149 = arith.constant 192 : i32
    %add3A_150 = arith.addi %add3A_148, %add3A_149 : i32
    %dma_wait3A_151 = arith.constant 3 : i32
    %dma_wait3A_152 = arith.constant 0 : i32
    %dma_wait3A_153 = arith.constant 0 : i32
    %dma_wait3A_154 = tpu.memref_slice %arg7[%dma_wait3A_151, %dma_wait3A_152, %dma_wait3A_153] : memref<8x64x128xf32, #tpu.memory_space<vmem>> -> memref<1x64x128xf32, #tpu.memory_space<vmem>>
    %dma_wait3A_155 = tpu.memref_squeeze %dma_wait3A_154 : memref<1x64x128xf32, #tpu.memory_space<vmem>> -> memref<64x128xf32, #tpu.memory_space<vmem>>
    %dma_wait3A_156 = arith.constant 0 : i32
    %dma_wait3A_157 = tpu.memref_slice %arg4[%add3A_150, %dma_wait3A_156] : memref<425984x128xf32, #tpu.memory_space<hbm>> -> memref<64x128xf32, #tpu.memory_space<hbm>>
    %dma_wait3A_158 = arith.constant 0 : i32
    %dma_wait3A_159 = tpu.memref_slice %arg4[%add3A_150, %dma_wait3A_158] : memref<425984x128xf32, #tpu.memory_space<hbm>> -> memref<64x128xf32, #tpu.memory_space<hbm>>
    %dma_wait3A_160 = arith.constant 0 : i32
    %dma_wait3A_161 = arith.constant 0 : i32
    %dma_wait3A_162 = tpu.memref_slice %arg7[%dma_wait3A_151, %dma_wait3A_160, %dma_wait3A_161] : memref<8x64x128xf32, #tpu.memory_space<vmem>> -> memref<1x64x128xf32, #tpu.memory_space<vmem>>
    %dma_wait3A_163 = tpu.memref_squeeze %dma_wait3A_162 : memref<1x64x128xf32, #tpu.memory_space<vmem>> -> memref<64x128xf32, #tpu.memory_space<vmem>>
    tpu.wait_dma2 semaphore(%arg19 : memref<!tpu.dma_semaphore, #tpu.memory_space<semaphore_mem>>) src(%dma_wait3A_163 : memref<64x128xf32, #tpu.memory_space<vmem>>) dst(%dma_wait3A_159 : memref<64x128xf32, #tpu.memory_space<hbm>>)
    %mul3A_164 = arith.constant 512 : i32
    %mul3A_165 = arith.muli %add3A, %mul3A_164 : i32
    %add3A_166 = arith.constant 409600 : i32
    %add3A_167 = arith.addi %add3A_166, %mul3A_165 : i32
    %add3A_168 = arith.constant 256 : i32
    %add3A_169 = arith.addi %add3A_167, %add3A_168 : i32
    %dma_wait3A_170 = arith.constant 4 : i32
    %dma_wait3A_171 = arith.constant 0 : i32
    %dma_wait3A_172 = arith.constant 0 : i32
    %dma_wait3A_173 = tpu.memref_slice %arg7[%dma_wait3A_170, %dma_wait3A_171, %dma_wait3A_172] : memref<8x64x128xf32, #tpu.memory_space<vmem>> -> memref<1x64x128xf32, #tpu.memory_space<vmem>>
    %dma_wait3A_174 = tpu.memref_squeeze %dma_wait3A_173 : memref<1x64x128xf32, #tpu.memory_space<vmem>> -> memref<64x128xf32, #tpu.memory_space<vmem>>
    %dma_wait3A_175 = arith.constant 0 : i32
    %dma_wait3A_176 = tpu.memref_slice %arg4[%add3A_169, %dma_wait3A_175] : memref<425984x128xf32, #tpu.memory_space<hbm>> -> memref<64x128xf32, #tpu.memory_space<hbm>>
    %dma_wait3A_177 = arith.constant 0 : i32
    %dma_wait3A_178 = tpu.memref_slice %arg4[%add3A_169, %dma_wait3A_177] : memref<425984x128xf32, #tpu.memory_space<hbm>> -> memref<64x128xf32, #tpu.memory_space<hbm>>
    %dma_wait3A_179 = arith.constant 0 : i32
    %dma_wait3A_180 = arith.constant 0 : i32
    %dma_wait3A_181 = tpu.memref_slice %arg7[%dma_wait3A_170, %dma_wait3A_179, %dma_wait3A_180] : memref<8x64x128xf32, #tpu.memory_space<vmem>> -> memref<1x64x128xf32, #tpu.memory_space<vmem>>
    %dma_wait3A_182 = tpu.memref_squeeze %dma_wait3A_181 : memref<1x64x128xf32, #tpu.memory_space<vmem>> -> memref<64x128xf32, #tpu.memory_space<vmem>>
    tpu.wait_dma2 semaphore(%arg20 : memref<!tpu.dma_semaphore, #tpu.memory_space<semaphore_mem>>) src(%dma_wait3A_182 : memref<64x128xf32, #tpu.memory_space<vmem>>) dst(%dma_wait3A_178 : memref<64x128xf32, #tpu.memory_space<hbm>>)
    %mul3A_183 = arith.constant 512 : i32
    %mul3A_184 = arith.muli %add3A, %mul3A_183 : i32
    %add3A_185 = arith.constant 409600 : i32
    %add3A_186 = arith.addi %add3A_185, %mul3A_184 : i32
    %add3A_187 = arith.constant 320 : i32
    %add3A_188 = arith.addi %add3A_186, %add3A_187 : i32
    %dma_wait3A_189 = arith.constant 5 : i32
    %dma_wait3A_190 = arith.constant 0 : i32
    %dma_wait3A_191 = arith.constant 0 : i32
    %dma_wait3A_192 = tpu.memref_slice %arg7[%dma_wait3A_189, %dma_wait3A_190, %dma_wait3A_191] : memref<8x64x128xf32, #tpu.memory_space<vmem>> -> memref<1x64x128xf32, #tpu.memory_space<vmem>>
    %dma_wait3A_193 = tpu.memref_squeeze %dma_wait3A_192 : memref<1x64x128xf32, #tpu.memory_space<vmem>> -> memref<64x128xf32, #tpu.memory_space<vmem>>
    %dma_wait3A_194 = arith.constant 0 : i32
    %dma_wait3A_195 = tpu.memref_slice %arg4[%add3A_188, %dma_wait3A_194] : memref<425984x128xf32, #tpu.memory_space<hbm>> -> memref<64x128xf32, #tpu.memory_space<hbm>>
    %dma_wait3A_196 = arith.constant 0 : i32
    %dma_wait3A_197 = tpu.memref_slice %arg4[%add3A_188, %dma_wait3A_196] : memref<425984x128xf32, #tpu.memory_space<hbm>> -> memref<64x128xf32, #tpu.memory_space<hbm>>
    %dma_wait3A_198 = arith.constant 0 : i32
    %dma_wait3A_199 = arith.constant 0 : i32
    %dma_wait3A_200 = tpu.memref_slice %arg7[%dma_wait3A_189, %dma_wait3A_198, %dma_wait3A_199] : memref<8x64x128xf32, #tpu.memory_space<vmem>> -> memref<1x64x128xf32, #tpu.memory_space<vmem>>
    %dma_wait3A_201 = tpu.memref_squeeze %dma_wait3A_200 : memref<1x64x128xf32, #tpu.memory_space<vmem>> -> memref<64x128xf32, #tpu.memory_space<vmem>>
    tpu.wait_dma2 semaphore(%arg21 : memref<!tpu.dma_semaphore, #tpu.memory_space<semaphore_mem>>) src(%dma_wait3A_201 : memref<64x128xf32, #tpu.memory_space<vmem>>) dst(%dma_wait3A_197 : memref<64x128xf32, #tpu.memory_space<hbm>>)
    %mul3A_202 = arith.constant 512 : i32
    %mul3A_203 = arith.muli %add3A, %mul3A_202 : i32
    %add3A_204 = arith.constant 409600 : i32
    %add3A_205 = arith.addi %add3A_204, %mul3A_203 : i32
    %add3A_206 = arith.constant 384 : i32
    %add3A_207 = arith.addi %add3A_205, %add3A_206 : i32
    %dma_wait3A_208 = arith.constant 6 : i32
    %dma_wait3A_209 = arith.constant 0 : i32
    %dma_wait3A_210 = arith.constant 0 : i32
    %dma_wait3A_211 = tpu.memref_slice %arg7[%dma_wait3A_208, %dma_wait3A_209, %dma_wait3A_210] : memref<8x64x128xf32, #tpu.memory_space<vmem>> -> memref<1x64x128xf32, #tpu.memory_space<vmem>>
    %dma_wait3A_212 = tpu.memref_squeeze %dma_wait3A_211 : memref<1x64x128xf32, #tpu.memory_space<vmem>> -> memref<64x128xf32, #tpu.memory_space<vmem>>
    %dma_wait3A_213 = arith.constant 0 : i32
    %dma_wait3A_214 = tpu.memref_slice %arg4[%add3A_207, %dma_wait3A_213] : memref<425984x128xf32, #tpu.memory_space<hbm>> -> memref<64x128xf32, #tpu.memory_space<hbm>>
    %dma_wait3A_215 = arith.constant 0 : i32
    %dma_wait3A_216 = tpu.memref_slice %arg4[%add3A_207, %dma_wait3A_215] : memref<425984x128xf32, #tpu.memory_space<hbm>> -> memref<64x128xf32, #tpu.memory_space<hbm>>
    %dma_wait3A_217 = arith.constant 0 : i32
    %dma_wait3A_218 = arith.constant 0 : i32
    %dma_wait3A_219 = tpu.memref_slice %arg7[%dma_wait3A_208, %dma_wait3A_217, %dma_wait3A_218] : memref<8x64x128xf32, #tpu.memory_space<vmem>> -> memref<1x64x128xf32, #tpu.memory_space<vmem>>
    %dma_wait3A_220 = tpu.memref_squeeze %dma_wait3A_219 : memref<1x64x128xf32, #tpu.memory_space<vmem>> -> memref<64x128xf32, #tpu.memory_space<vmem>>
    tpu.wait_dma2 semaphore(%arg22 : memref<!tpu.dma_semaphore, #tpu.memory_space<semaphore_mem>>) src(%dma_wait3A_220 : memref<64x128xf32, #tpu.memory_space<vmem>>) dst(%dma_wait3A_216 : memref<64x128xf32, #tpu.memory_space<hbm>>)
    %mul3A_221 = arith.constant 512 : i32
    %mul3A_222 = arith.muli %add3A, %mul3A_221 : i32
    %add3A_223 = arith.constant 409600 : i32
    %add3A_224 = arith.addi %add3A_223, %mul3A_222 : i32
    %add3A_225 = arith.constant 448 : i32
    %add3A_226 = arith.addi %add3A_224, %add3A_225 : i32
    %dma_wait3A_227 = arith.constant 7 : i32
    %dma_wait3A_228 = arith.constant 0 : i32
    %dma_wait3A_229 = arith.constant 0 : i32
    %dma_wait3A_230 = tpu.memref_slice %arg7[%dma_wait3A_227, %dma_wait3A_228, %dma_wait3A_229] : memref<8x64x128xf32, #tpu.memory_space<vmem>> -> memref<1x64x128xf32, #tpu.memory_space<vmem>>
    %dma_wait3A_231 = tpu.memref_squeeze %dma_wait3A_230 : memref<1x64x128xf32, #tpu.memory_space<vmem>> -> memref<64x128xf32, #tpu.memory_space<vmem>>
    %dma_wait3A_232 = arith.constant 0 : i32
    %dma_wait3A_233 = tpu.memref_slice %arg4[%add3A_226, %dma_wait3A_232] : memref<425984x128xf32, #tpu.memory_space<hbm>> -> memref<64x128xf32, #tpu.memory_space<hbm>>
    %dma_wait3A_234 = arith.constant 0 : i32
    %dma_wait3A_235 = tpu.memref_slice %arg4[%add3A_226, %dma_wait3A_234] : memref<425984x128xf32, #tpu.memory_space<hbm>> -> memref<64x128xf32, #tpu.memory_space<hbm>>
    %dma_wait3A_236 = arith.constant 0 : i32
    %dma_wait3A_237 = arith.constant 0 : i32
    %dma_wait3A_238 = tpu.memref_slice %arg7[%dma_wait3A_227, %dma_wait3A_236, %dma_wait3A_237] : memref<8x64x128xf32, #tpu.memory_space<vmem>> -> memref<1x64x128xf32, #tpu.memory_space<vmem>>
    %dma_wait3A_239 = tpu.memref_squeeze %dma_wait3A_238 : memref<1x64x128xf32, #tpu.memory_space<vmem>> -> memref<64x128xf32, #tpu.memory_space<vmem>>
    tpu.wait_dma2 semaphore(%arg23 : memref<!tpu.dma_semaphore, #tpu.memory_space<semaphore_mem>>) src(%dma_wait3A_239 : memref<64x128xf32, #tpu.memory_space<vmem>>) dst(%dma_wait3A_235 : memref<64x128xf32, #tpu.memory_space<hbm>>)
    return
  }
}

module attributes {stable_mosaic.version = 14 : i64} {
  func.func @_mlp_table_body(%arg0: memref<824x128xf32, #tpu.memory_space<vmem>>, %arg1: memref<128x128xf32, #tpu.memory_space<vmem>>, %arg2: memref<1x128xf32, #tpu.memory_space<vmem>>, %arg3: memref<128x128xf32, #tpu.memory_space<vmem>>, %arg4: memref<1x128xf32, #tpu.memory_space<vmem>>, %arg5: memref<824x128xf32, #tpu.memory_space<vmem>>) attributes {dimension_semantics = [], scalar_prefetch = 0 : i64, scratch_operands = 0 : i64, tpu.core_type = #tpu.core_type<tc>} {
    %get3A = arith.constant 0 : index
    %get3A_0 = arith.constant 0 : index
    %get3A_1 = vector.load %arg0[%get3A, %get3A_0] : memref<824x128xf32, #tpu.memory_space<vmem>>, vector<824x128xf32>
    %mul3A = arith.constant 5.000000e-01 : f32
    %mul3A_2 = vector.broadcast %mul3A : f32 to vector<824x128xf32>
    %mul3A_3 = arith.mulf %get3A_1, %mul3A_2 : vector<824x128xf32>
    %mul3A_4 = arith.constant 0.707106769 : f32
    %mul3A_5 = vector.broadcast %mul3A_4 : f32 to vector<824x128xf32>
    %mul3A_6 = arith.mulf %get3A_1, %mul3A_5 : vector<824x128xf32>
    %erf3A = math.erf %mul3A_6 : vector<824x128xf32>
    %add3A = arith.constant 1.000000e+00 : f32
    %add3A_7 = vector.broadcast %add3A : f32 to vector<824x128xf32>
    %add3A_8 = arith.addf %add3A_7, %erf3A : vector<824x128xf32>
    %mul3A_9 = arith.mulf %mul3A_3, %add3A_8 : vector<824x128xf32>
    %get3A_10 = arith.constant 0 : index
    %get3A_11 = arith.constant 0 : index
    %get3A_12 = vector.load %arg1[%get3A_10, %get3A_11] : memref<128x128xf32, #tpu.memory_space<vmem>>, vector<128x128xf32>
    %dot_general3A = arith.constant dense<0.000000e+00> : vector<824x128xf32>
    %dot_general3A_13 = tpu.matmul %mul3A_9, %get3A_12, %dot_general3A {dimension_numbers = #tpu.dot_dimension_numbers<[1], [0], [0], [1], [0, 0, 1, 1], [], []>, transpose_lhs_hint = false} : vector<824x128xf32>, vector<128x128xf32>, vector<824x128xf32> -> vector<824x128xf32>
    %get3A_14 = arith.constant 0 : index
    %get3A_15 = arith.constant 0 : index
    %get3A_16 = vector.load %arg2[%get3A_14, %get3A_15] : memref<1x128xf32, #tpu.memory_space<vmem>>, vector<1x128xf32>
    %add3A_17 = vector.broadcast %get3A_16 : vector<1x128xf32> to vector<824x128xf32>
    %add3A_18 = arith.addf %dot_general3A_13, %add3A_17 : vector<824x128xf32>
    %mul3A_19 = arith.constant 5.000000e-01 : f32
    %mul3A_20 = vector.broadcast %mul3A_19 : f32 to vector<824x128xf32>
    %mul3A_21 = arith.mulf %add3A_18, %mul3A_20 : vector<824x128xf32>
    %mul3A_22 = arith.constant 0.707106769 : f32
    %mul3A_23 = vector.broadcast %mul3A_22 : f32 to vector<824x128xf32>
    %mul3A_24 = arith.mulf %add3A_18, %mul3A_23 : vector<824x128xf32>
    %erf3A_25 = math.erf %mul3A_24 : vector<824x128xf32>
    %add3A_26 = arith.constant 1.000000e+00 : f32
    %add3A_27 = vector.broadcast %add3A_26 : f32 to vector<824x128xf32>
    %add3A_28 = arith.addf %add3A_27, %erf3A_25 : vector<824x128xf32>
    %mul3A_29 = arith.mulf %mul3A_21, %add3A_28 : vector<824x128xf32>
    %get3A_30 = arith.constant 0 : index
    %get3A_31 = arith.constant 0 : index
    %get3A_32 = vector.load %arg3[%get3A_30, %get3A_31] : memref<128x128xf32, #tpu.memory_space<vmem>>, vector<128x128xf32>
    %dot_general3A_33 = arith.constant dense<0.000000e+00> : vector<824x128xf32>
    %dot_general3A_34 = tpu.matmul %mul3A_29, %get3A_32, %dot_general3A_33 {dimension_numbers = #tpu.dot_dimension_numbers<[1], [0], [0], [1], [0, 0, 1, 1], [], []>, transpose_lhs_hint = false} : vector<824x128xf32>, vector<128x128xf32>, vector<824x128xf32> -> vector<824x128xf32>
    %get3A_35 = arith.constant 0 : index
    %get3A_36 = arith.constant 0 : index
    %get3A_37 = vector.load %arg4[%get3A_35, %get3A_36] : memref<1x128xf32, #tpu.memory_space<vmem>>, vector<1x128xf32>
    %add3A_38 = vector.broadcast %get3A_37 : vector<1x128xf32> to vector<824x128xf32>
    %add3A_39 = arith.addf %dot_general3A_34, %add3A_38 : vector<824x128xf32>
    %swap3A = arith.constant 0 : index
    %swap3A_40 = arith.constant 0 : index
    %swap3A_41 = vector.load %arg5[%swap3A, %swap3A_40] : memref<824x128xf32, #tpu.memory_space<vmem>>, vector<824x128xf32>
    tpu.vector_store %arg5[%swap3A, %swap3A_40], %add3A_39 {strides = array<i32>} : memref<824x128xf32, #tpu.memory_space<vmem>>, vector<824x128xf32>,
    return
  }
}

</mosaic_0001>

<sc_bundles>
// kernel: kernel.4.cloned.1.call-start
scs
__scs_entry_jumppad:
0x0: {  	(pc) =	sbr.rel $0x88, $3  }
0x1: {  	(tag) =	ssettag $0x0;
	lr =	simm.s32 $0x1  }
0x2: {  	[smem:$0x3F9B] =	sst lr;
	_ =	strace $0xD0000000  }
0x3: {  	_ = 	snop  }
0x4: {  	_ = 	snop  }
0x5: {  	_ = 	snop  }
0x6: {  	_ = 	snop  }
0x7: {  	_ = 	snop  }
__scs_overlays_trampoline_lowered:
0x8: {  	[smem:$0x3FAA] =	sst s0  }
0x9: {  	[smem:$0x3FAB] =	sst s1  }
0xa: {  	[smem:$0x3FAC] =	sst s2  }
0xb: {  	[smem:$0x3FAD] =	sst s3  }
0xc: {  	[smem:$0x3FAE] =	sst s4  }
0xd: {  	[smem:$0x3FAF] =	sst s5  }
0xe: {  	[smem:$0x3FB0] =	sst s6  }
0xf: {  	[smem:$0x3FB1] =	sst s7  }
0x10: {  	[smem:$0x3FB2] =	sst s8  }
0x11: {  	[smem:$0x3FB3] =	sst s9;
	s0 =	simm.s32 @!p0 $0x0  }
0x12: {  	s1 =	sld [smem:$0x3F99];
	s0 =	simm.s32 @p0 $0x1  }
0x13: {  	[smem:$0x3FB4] =	sst s0;
	s0 =	simm.s32 @!p1 $0x0  }
0x14: {  	s2 =	sld [smem:$0x3F98];
	s0 =	simm.s32 @p1 $0x1  }
0x15: {  	[smem:$0x3FB5] =	sst s0;
	s0 =	simm.s32 @!p2 $0x0  }
0x16: {  	s3 =	sld [smem:$0x3FDB];
	s0 =	simm.s32 @p2 $0x1  }
0x17: {  	s4 =	simm.s32 $0x1BF5;
	[smem:$0x3FB7] =	sst s0  }
0x18: {  	s0 =	sld [smem:$0x3F9A];
	_ =	swait.ge [sflag:s4], $0x0  }
0x19: {  	s7 =	sld [smem:$0x3F9B]  }
0x1a: {  	s8 =	sadd.s32 $0xFFFFE003, lr  }
0x1b: {  	s9 =	sadd.s32 $0xFFFFFEF7, lr;
	s5 =	simm.s32 $0xFFFFFFFF;
	p2 =	slt.u32 s8, $0xFFFFF086  }
0x1c: {  	p1 =	slt.u32 s9, $0xF7A;
	s5 =	simm.s32 @!p2 $0x0  }
0x1d: {  	s5 =	simm.s32 @p1 $0x1;
	p0 =	seq.s32 s7, s2  }
0x1e: {  	s7 =	smul.u32 @!p0 $0xF7A, s2;
	p2 =	seq.s32 @!p0 s5, $0x0  }
0x1f: {  	s9 =	smul.u32 $0xF7A, s1;
	s8 =	simm.s32 @!p0 $0x1BF5;
	p2 =	por !p2, p0  }
0x20: {  	[sflag:s8] =	ssyncset.s32 @!p0 $0xFFFFF086;
	s6 =	sadd.s32 @!p0 s3, s7;
	s7 =	simm.s32 @!p0 $0x108  }
0x21: {  	s3 =	sadd.s32 s3, s9;
	s6 =	sadd.s32 @!p0 $0x88, s6;
	s7 =	simm.s32 @p2 $0x1082  }
0x22: {  	[simem:s7], [sflag:s8] =	dma.local @!p0 [hbm:s6], $0xF7A  }
0x23: {  	s9 =	sor.u32 $0xD0000000, s2;
	s6 =	simm.s32 $0x108;
	_ =	swait.ge @!p0 [sflag:s8], $0x0  }
0x24: {  	s3 =	sadd.s32 $0x88, s3;
	s6 =	simm.s32 @!p1 $0x1082;
	[sflag:s4] =	ssyncset.s32 $0xFFFFF086  }
0x25: {  	[simem:s6], [sflag:s4] =	dma.local [hbm:s3], $0xF7A  }
0x26: {  	[smem:$0x3F9B] =	sst s1;
	(tag) =	ssettag s2;
	_ =	strace s9  }
0x27: {  	s1 =	sld [smem:$0x3FAB]  }
0x28: {  	s2 =	sld [smem:$0x3FAC]  }
0x29: {  	s4 =	sld [smem:$0x3FAE]  }
0x2a: {  	p0 =	seq.s32 s5, $0x0;
	s5 =	sld [smem:$0x3FAF]  }
0x2b: {  	s6 =	sld [smem:$0x3FB0]  }
0x2c: {  	s7 =	sld [smem:$0x3FB1]  }
0x2d: {  	s3 =	simm.s32 $0x108;
	s8 =	sld [smem:$0x3FB2]  }
0x2e: {  	s3 =	simm.s32 @!p0 $0x1082;
	s9 =	sld [smem:$0x3FB3]  }
0x2f: {  	lr =	sadd.s32 s0, s3;
	s0 =	sld [smem:$0x3FAA]  }
0x30: {  	s3 =	sld [smem:$0x3FAD]  }
0x31: {  	[smem:$0x3FB6] =	sst s10  }
0x32: {  	s10 =	sld [smem:$0x3FB4];
	_ =	sdelay $0x3  }
0x33: {  	p0 =	seq.s32 s10, $0x1;
	s10 =	sld [smem:$0x3FB6];
	_ =	sdelay $0x3  }
0x34: {  	[smem:$0x3FB6] =	sst s10  }
0x35: {  	s10 =	sld [smem:$0x3FB5];
	_ =	sdelay $0x3  }
0x36: {  	p1 =	seq.s32 s10, $0x1;
	s10 =	sld [smem:$0x3FB6];
	_ =	sdelay $0x3  }
0x37: {  	[smem:$0x3FB6] =	sst s10  }
0x38: {  	s10 =	sld [smem:$0x3FB7]  }
0x39: {  	_ = 	snop;
	(pc) =	sbr.ind lr, $3  }
0x3a: {  	_ = 	snop  }
0x3b: {  	_ = 	snop  }
0x3c: {  	p2 =	seq.s32 s10, $0x1;
	s10 =	sld [smem:$0x3FB6]  }
0x3d: {  	_ =	shalt  }
0x3e: {  	_ =	shalt  }
0x3f: {  	_ =	shalt  }
0x40: {  	_ =	shalt  }
0x41: {  	_ =	shalt  }
0x42: {  	_ =	shalt  }
0x43: {  	_ =	shalt  }
0x44: {  	_ =	shalt  }
0x45: {  	_ =	shalt  }
0x46: {  	_ =	shalt  }
0x47: {  	_ =	shalt  }
0x48: {  	_ =	shalt  }
0x49: {  	_ =	shalt  }
0x4a: {  	_ =	shalt  }
0x4b: {  	_ =	shalt  }
0x4c: {  	_ =	shalt  }
0x4d: {  	_ =	shalt  }
0x4e: {  	_ =	shalt  }
0x4f: {  	_ =	shalt  }
0x50: {  	_ =	shalt  }
0x51: {  	_ =	shalt  }
0x52: {  	_ =	shalt  }
0x53: {  	_ =	shalt  }
0x54: {  	_ =	shalt  }
0x55: {  	_ =	shalt  }
0x56: {  	_ =	shalt  }
0x57: {  	_ =	shalt  }
0x58: {  	_ =	shalt  }
0x59: {  	_ =	shalt  }
0x5a: {  	_ =	shalt  }
0x5b: {  	_ =	shalt  }
0x5c: {  	_ =	shalt  }
0x5d: {  	_ =	shalt  }
0x5e: {  	_ =	shalt  }
0x5f: {  	_ =	shalt  }
0x60: {  	_ =	shalt  }
0x61: {  	_ =	shalt  }
0x62: {  	_ =	shalt  }
0x63: {  	_ =	shalt  }
0x64: {  	_ =	shalt  }
0x65: {  	_ =	shalt  }
0x66: {  	_ =	shalt  }
0x67: {  	_ =	shalt  }
0x68: {  	_ =	shalt  }
0x69: {  	_ =	shalt  }
0x6a: {  	_ =	shalt  }
0x6b: {  	_ =	shalt  }
0x6c: {  	_ =	shalt  }
0x6d: {  	_ =	shalt  }
0x6e: {  	_ =	shalt  }
0x6f: {  	_ =	shalt  }
0x70: {  	_ =	shalt  }
0x71: {  	_ =	shalt  }
0x72: {  	_ =	shalt  }
0x73: {  	_ =	shalt  }
0x74: {  	_ =	shalt  }
0x75: {  	_ =	shalt  }
0x76: {  	_ =	shalt  }
0x77: {  	_ =	shalt  }
0x78: {  	_ =	shalt  }
0x79: {  	_ =	shalt  }
0x7a: {  	_ =	shalt  }
0x7b: {  	_ =	shalt  }
0x7c: {  	_ =	shalt  }
0x7d: {  	_ =	shalt  }
0x7e: {  	_ =	shalt  }
0x7f: {  	_ =	shalt  }
0x80: {  	_ =	shalt  }
0x81: {  	_ =	shalt  }
0x82: {  	_ =	shalt  }
0x83: {  	_ =	shalt  }
0x84: {  	_ =	shalt  }
0x85: {  	_ =	shalt  }
0x86: {  	_ =	shalt  }
0x87: {  	_ =	shalt  }
.Lfunc_end0:
.L_simem_size_0:
called_computation_lowered:
.L_overlay_start_0:
0x88: {  	s2 =	sld [smem:$0x3FD9]  }
0x89: {  	s3 =	sld [smem:$0x3FFE];
	_ =	sdelay $0x1  }
0x8a: {  	s1 =	srdreg.scid  }
0x8b: {  	s0 =	sand.u32 $0x1, s1  }
0x8c: {  	s17 =	sshll.u32 s0, $0xA;
	s2 =	sadd.s32 s3, s2  }
0x8d: {  	s2 =	sadd.s32 s2, s17  }
0x8e: {  	[smem:$0x3FC2] =	sst s2  }
0x8f: {  	_ = 	snop  }
0x90: {  	s2 =	sld [smem:$0x3FD0];
	(tm) =	ssettm $0x1  }
0x91: {  	s18 =	sld [smem:$0x3FFB];
	_ =	sdelay $0x3  }
0x92: {  	_ =	strace s18  }
0x93: {  	s3 =	sld [smem:$0x3FFC];
	_ =	sdelay $0x3  }
0x94: {  	_ =	strace s3  }
0x95: {  	s3 =	sld [smem:$0x3FFD];
	_ =	sdelay $0x3  }
0x96: {  	_ =	strace s3  }
0x97: {  	_ =	strace $0x8FFFFFFF  }
0x98: {  	s19 =	sld [smem:$0x3FDB];
	_ =	sdelay $0x1  }
0x99: {  	s4 =	simm.s32 $_scs_section_size  }
0x9a: {  	s5 =	simm.s32 $_size__tile_overlayer_lowered;
	s6 =	simm.s32 $_tile_overlayer_lowered  }
0x9b: {  	s22 =	simm.s32 $0x1BFF;
	s21 =	sshll.u32 s6, $0x1;
	s3 =	sadd.s32 s4, s19  }
0x9c: {  	s7 =	simm.s32 $0x0;
	s20 =	sshll.u32 s5, $0x1;
	s5 =	sadd.s32 s21, s3  }
0x9d: {  	[timem:s7], [sflag:s22] =	dma.local [hbm:s5], s20  }
0x9e: {  	_ =	swait.ge [sflag:s22], s20  }
0x9f: {  	s4 =	ssub.s32 $0x0, s20;
	[sflag:s22] =	ssyncset.done $0x0  }
0xa0: {  	[sflag:s22] =	ssyncadd.s32 s4;
	_ =	sdelay $0x1  }
0xa1: {  	s23 =	simm.s32 $0x1B8B  }
0xa2: {  	_ =	swait.ge [sflag:s23], $0x1  }
0xa3: {  	[sflag:s23] =	ssyncset.done $0x0  }
0xa4: {  	s25 =	simm.s32 $0x1B8E;
	s24 =	sld [smem:$0x3FFE];
	[sflag:s23] =	ssyncadd.s32 $0xFFFFFFFF  }
0xa5: {  	s26 =	simm.s32 $execute0_lowered;
	[smem:$0x3FD2] =	sst s25  }
0xa6: {  	s5 =	sshll.u32 s26, $0x1;
	_ =	strace $0x80000046;
	[dreg:$0x1] =	wrdreg $0xFFFFFFFF  }
0xa7: {  	s28 =	simm.s32 $_size_execute0_lowered;
	s3 =	sadd.s32 s3, s5;
	[dreg:$0x0] =	wrdreg $0x0  }
0xa8: {  	s5 =	sshll.u32 s28, $0x1;
	[dreg:$0x2] =	wrdreg s3  }
0xa9: {  	[dreg:$0x3] =	wrdreg s5  }
0xaa: {  	[dreg:$0x4] =	wrdreg $0xC0  }
0xab: {  	_ =	task [dreg:s7], $0x5FFFF  }
0xac: {  	[dreg:$0x1] =	wrdreg $0xFFFFFFFF  }
0xad: {  	[dreg:$0x0] =	wrdreg $0x60  }
0xae: {  	[dreg:$0x2] =	wrdreg s24  }
0xaf: {  	[dreg:$0x3] =	wrdreg s2  }
0xb0: {  	[dreg:$0x4] =	wrdreg $0x0  }
0xb1: {  	[dreg:$0x5] =	wrdreg $0x9  }
0xb2: {  	_ =	task.clear_ibuf [dreg:s7], $0x6FFFF;
	_ =	strace $0x90000046  }
0xb3: {  	s29 =	simm.s32 $0x9;
	_ =	strace $0x80000048  }
0xb4: {  	_ =	swait.ge [sflag:s29], $0x1  }
0xb5: {  	[sflag:s29] =	ssyncadd.s32 $0xFFFFFFFF  }
0xb6: {  	_ =	strace $0x90000048  }
0xb7: {  	_ =	sfence  }
0xb8: {  	s30 =	sld [smem:$0x0];
	_ =	sdelay $0x2  }
0xb9: {  	s31 =	sshll.u32 s1, $0xD;
	s1 =	sshrl.u32 s1, $0x2  }
0xba: {  	s3 =	sand.u32 $0x4000, s31;
	s1 =	sadd.s32 s1, s30  }
0xbb: {  	s0 =	sor.u32 s3, s0;
	s1 =	sshll.u32 s1, $0x11  }
0xbc: {  	s0 =	sor.u32 s1, s0  }
0xbd: {  	s0 =	sadd.s32 $0x8F2B, s0  }
0xbe: {  	[sflag:s0] =	ssyncadd.remote.s32 $0x1  }
0xbf: {  	_ =	sfence.sel $0xFFFF  }
0xc0: {  	[dreg:$0x0] =	wrdreg $0xFFFFFFFF;
	(pc) =	sbr.abs _section_cstart, $3  }
0xc1: {  	[dreg:$0x1] =	wrdreg $0xFFFFFFFF  }
0xc2: {  	_ =	task.clear_ibuf [dreg:s7], $0x2FFFF;
	_ =	strace $0x9FFFFFFF  }
0xc3: {  	(tm) =	ssettm $0x7FFFFFFF  }
tec
execute0_lowered:
.L_overlay_start_1:
0x0: {  	(tag) =	ssettag $0x1  }
0x1: {  	s0 =	rddreg [dreg:$0x0]  }
0x2: {  	s3 =	rddreg [dreg:$0x1];
	s2 =	srdreg.scid  }
0x3: {  	s4 =	stileid.u32;
	s1 =	rddreg [dreg:$0x2];
	s10 =	simm.s32 $0x40  }
0x4: {  	s11 =	simm.s32 $0x4DC0;
	s13 =	simm.s32 $0x6DC0;
	s15 =	simm.s32 $0x8DC0  }
0x5: {  	s17 =	simm.s32 $0xADC0;
	s19 =	simm.s32 $0xCDC0;
	s28 =	simm.s32 $0x2  }
0x6: {  	s29 =	simm.s32 $0x3;
	s30 =	simm.s32 $0x4;
	s31 =	simm.s32 $0x5  }
0x7: {  	s12 =	simm.s32 $0x7;
	s14 =	simm.s32 $0x8;
	s16 =	simm.s32 $0x9  }
0x8: {  	s18 =	simm.s32 $0xA;
	s20 =	simm.s32 $0xB;
	s5 =	sand.u32 $0x1, s2  }
0x9: {  	s6 =	sshll.u32 s4, $0x1;
	s2 =	simm.s32 $0x0;
	s8 =	sadd.s32 $0xDC00, s0  }
0xa: {  	s23 =	sshll.u32 s4, $0xE;
	p0 =	sne.s32 s4, $0x0;
	s4 =	simm.s32 $0xF  }
0xb: {  	s6 =	sor.u32 s5, s6;
	[smem:$0x7FF] =	sst s2;
	s7 =	ssub.s32 $0x2, s5  }
0xc: {  	s24 =	sadd.s32 s23, s3;
	s25 =	sshll.u32 s5, $0xD;
	s23 =	simm.s32 $0x10DC0  }
0xd: {  	s3 =	simm.s32 $0xE;
	s5 =	simm.s32 $0x10;
	s6 =	smul.u32 $0x680, s6  }
0xe: {  	_ =	strace $0x80000047;
	[dreg:$0x4] =	wrdreg s8;
	s21 =	sshrl.u32 s7, $0x1  }
0xf: {  	s22 =	ssub.s32 s7, s21;
	s21 =	simm.s32 $0xEDC0;
	s7 =	simm.s32 $0x0  }
.Ltmp0:
0x10: {  	s0 =	sadd.s32 s6, s0;
	s26 =	smax.u32 s22, $0x1;
	(pc) =	sbr.rel .LBB2_1-.Ltmp0, $4  }
0x11: {  	s22 =	simm.s32 $0xC;
	s0 =	sadd.s32 $0xC00, s0;
	[dreg:$0x6] =	wrdreg s26  }
0x12: {  	s26 =	simm.s32 $0x1;
	[dreg:$0x5] =	wrdreg s0;
	s0 =	sadd.s32 s25, s24  }
0x13: {  	s25 =	simm.s32 $0x12DC0;
	[dreg:$0x7] =	wrdreg s0;
	s0 =	sshrl.u32 @!p0 s1, $0x3  }
0x14: {  	s24 =	simm.s32 $0xD;
	[dreg:$0x8] =	wrdreg s0;
	s0 =	simm.s32 $0x6  }
.LBB2_4:
0x15: {  	_ =	swait.ge [sflag:s16], $0x2000  }
0x16: {  	[sflag:s16] =	ssyncset.done $0x0  }
0x17: {  	[sflag:s16] =	ssyncadd.s32 $0xFFFFE000  }
0x18: {  	_ =	swait.ge [sflag:s18], $0x2000  }
0x19: {  	[sflag:s18] =	ssyncset.done $0x0  }
0x1a: {  	[sflag:s18] =	ssyncadd.s32 $0xFFFFE000  }
0x1b: {  	_ =	swait.ge [sflag:s20], $0x2000  }
0x1c: {  	[sflag:s20] =	ssyncset.done $0x0  }
0x1d: {  	[sflag:s20] =	ssyncadd.s32 $0xFFFFE000  }
0x1e: {  	_ =	swait.ge [sflag:s22], $0x2000  }
0x1f: {  	[sflag:s22] =	ssyncset.done $0x0  }
0x20: {  	[sflag:s22] =	ssyncadd.s32 $0xFFFFE000  }
0x21: {  	_ =	swait.ge [sflag:s24], $0x2000  }
0x22: {  	[sflag:s24] =	ssyncset.done $0x0  }
0x23: {  	[sflag:s24] =	ssyncadd.s32 $0xFFFFE000  }
0x24: {  	_ =	swait.ge [sflag:s3], $0x2000  }
0x25: {  	[sflag:s3] =	ssyncset.done $0x0  }
0x26: {  	[sflag:s3] =	ssyncadd.s32 $0xFFFFE000  }
0x27: {  	_ =	swait.ge [sflag:s4], $0x2000  }
0x28: {  	[sflag:s4] =	ssyncset.done $0x0  }
0x29: {  	[sflag:s4] =	ssyncadd.s32 $0xFFFFE000  }
0x2a: {  	_ =	swait.ge [sflag:s5], $0x2000  }
0x2b: {  	s7 =	rddreg [dreg:$0x9]  }
0x2c: {  	s6 =	rddreg [dreg:$0x6];
	s7 =	sadd.s32 $0x1, s7  }
0x2d: {  	p1 =	sne.s32 s7, s6  }
.Ltmp1:
0x2e: {  	_ = 	snop;
	(pc) =	sbr.rel @!p1 .LBB2_5-.Ltmp1, $3  }
0x2f: {  	_ =	sdelay $0x1  }
0x30: {  	[sflag:s5] =	ssyncset.done $0x0  }
0x31: {  	[sflag:s5] =	ssyncadd.s32 $0xFFFFE000  }
.LBB2_1:
0x32: {  	[dreg:$0x9] =	wrdreg s7  }
0x33: {  	s7 =	rddreg [dreg:$0x4]  }
0x34: {  	s6 =	simm.s32 @!p0 $0x1C11;
	s8 =	rddreg [dreg:$0x8]  }
0x35: {  	[spmem:s8], [sflag:s6] =	dma.local @!p0 [hbm:s7], $0x3380  }
0x36: {  	s6 =	simm.s32 @!p0 $0x11  }
0x37: {  	_ =	swait.ge @!p0 [sflag:s6], $0x3380  }
0x38: {  	[sflag:s6] =	ssyncset.done @!p0 $0x0  }
0x39: {  	s9 =	simm.s32 $0x19C0;
	s8 =	rddreg [dreg:$0x5];
	[sflag:s6] =	ssyncadd.s32 @!p0 $0xFFFFCC80  }
0x3a: {  	[tilespmem:s9], [sflag:$0x11] =	stream.linear.gather [hbm4b:s8+s2], $0x3400, $0x38;
	[tilespmem:$0x14DC0] =	vst v63  }
0x3b: {  	s8 =	simm.s32 $0x11  }
0x3c: {  	_ =	swait.ge [sflag:s8], $0x3400  }
0x3d: {  	[sflag:s8] =	ssyncset.done $0x0  }
0x3e: {  	[sflag:s8] =	ssyncadd.s32 $0xFFFFCC00  }
0x3f: {  	[bflag:$0x0] =	sbarrier.arrive $0xFFFF  }
0x40: {  	[tilespmem:s11], [sflag:$0x1] =	stream.indirect.gather [spmem:s1], $0x80, s9, s10, $0xb8;
	[tilespmem:$0x14DC0] =	vst v63  }
0x41: {  	s9 =	simm.s32 $0x1A00  }
0x42: {  	[tilespmem:s13], [sflag:$0x2] =	stream.indirect.gather [spmem:s1], $0x80, s9, s10, $0xb8;
	[tilespmem:$0x14DC0] =	vst v63  }
0x43: {  	s7 =	simm.s32 $0x1A40  }
0x44: {  	[tilespmem:s15], [sflag:$0x3] =	stream.indirect.gather [spmem:s1], $0x80, s7, s10, $0xb8;
	[tilespmem:$0x14DC0] =	vst v63  }
0x45: {  	s8 =	simm.s32 $0x1A80  }
0x46: {  	[tilespmem:s17], [sflag:$0x4] =	stream.indirect.gather [spmem:s1], $0x80, s8, s10, $0xb8;
	[tilespmem:$0x14DC0] =	vst v63  }
0x47: {  	s9 =	simm.s32 $0x1AC0  }
0x48: {  	[tilespmem:s19], [sflag:$0x5] =	stream.indirect.gather [spmem:s1], $0x80, s9, s10, $0xb8;
	[tilespmem:$0x14DC0] =	vst v63  }
0x49: {  	s7 =	simm.s32 $0x1B00  }
0x4a: {  	[tilespmem:s21], [sflag:$0x6] =	stream.indirect.gather [spmem:s1], $0x80, s7, s10, $0xb8;
	[tilespmem:$0x14DC0] =	vst v63  }
0x4b: {  	s8 =	simm.s32 $0x1B40  }
0x4c: {  	[tilespmem:s23], [sflag:$0x7] =	stream.indirect.gather [spmem:s1], $0x80, s8, s10, $0xb8;
	[tilespmem:$0x14DC0] =	vst v63  }
0x4d: {  	s6 =	rddreg [dreg:$0x7];
	s9 =	simm.s32 $0x1B80;
	s7 =	simm.s32 $0x0  }
0x4e: {  	[tilespmem:s25], [sflag:$0x8] =	stream.indirect.gather [spmem:s1], $0x80, s9, s10, $0xb8;
	[tilespmem:$0x14DC0] =	vst v63  }
.LBB2_2:
0x4f: {  	_ =	swait.ge [sflag:s26], $0x2000  }
0x50: {  	[sflag:s26] =	ssyncset.done $0x0  }
0x51: {  	[sflag:s26] =	ssyncadd.s32 $0xFFFFE000  }
0x52: {  	[hbm4b:s6+s2] =	stream.linear.scatter [tilespmem:s11], [sflag:$0x9], $0x2000, $0x38;
	[tilespmem:$0x14DC0] =	vst v63  }
0x53: {  	_ =	swait.ge [sflag:s28], $0x2000  }
0x54: {  	[sflag:s28] =	ssyncset.done $0x0  }
0x55: {  	s9 =	sadd.s32 $0x400, s6;
	[sflag:s28] =	ssyncadd.s32 $0xFFFFE000  }
0x56: {  	[hbm4b:s9+s2] =	stream.linear.scatter [tilespmem:s13], [sflag:$0xA], $0x2000, $0x38;
	[tilespmem:$0x14DC0] =	vst v63  }
0x57: {  	_ =	swait.ge [sflag:s29], $0x2000  }
0x58: {  	[sflag:s29] =	ssyncset.done $0x0  }
0x59: {  	s8 =	sadd.s32 $0x800, s6;
	[sflag:s29] =	ssyncadd.s32 $0xFFFFE000  }
0x5a: {  	[hbm4b:s8+s2] =	stream.linear.scatter [tilespmem:s15], [sflag:$0xB], $0x2000, $0x38;
	[tilespmem:$0x14DC0] =	vst v63  }
0x5b: {  	_ =	swait.ge [sflag:s30], $0x2000  }
0x5c: {  	[sflag:s30] =	ssyncset.done $0x0  }
0x5d: {  	s8 =	sadd.s32 $0xC00, s6;
	[sflag:s30] =	ssyncadd.s32 $0xFFFFE000  }
0x5e: {  	[hbm4b:s8+s2] =	stream.linear.scatter [tilespmem:s17], [sflag:$0xC], $0x2000, $0x38;
	[tilespmem:$0x14DC0] =	vst v63  }
0x5f: {  	_ =	swait.ge [sflag:s31], $0x2000  }
0x60: {  	[sflag:s31] =	ssyncset.done $0x0  }
0x61: {  	s8 =	sadd.s32 $0x1000, s6;
	[sflag:s31] =	ssyncadd.s32 $0xFFFFE000  }
0x62: {  	[hbm4b:s8+s2] =	stream.linear.scatter [tilespmem:s19], [sflag:$0xD], $0x2000, $0x38;
	[tilespmem:$0x14DC0] =	vst v63  }
0x63: {  	_ =	swait.ge [sflag:s0], $0x2000  }
0x64: {  	[sflag:s0] =	ssyncset.done $0x0  }
0x65: {  	s8 =	sadd.s32 $0x1400, s6;
	[sflag:s0] =	ssyncadd.s32 $0xFFFFE000  }
0x66: {  	[hbm4b:s8+s2] =	stream.linear.scatter [tilespmem:s21], [sflag:$0xE], $0x2000, $0x38;
	[tilespmem:$0x14DC0] =	vst v63  }
0x67: {  	_ =	swait.ge [sflag:s12], $0x2000  }
0x68: {  	[sflag:s12] =	ssyncset.done $0x0  }
0x69: {  	p1 =	seq.s32 s7, $0xC800;
	s8 =	sadd.s32 $0x1800, s6;
	[sflag:s12] =	ssyncadd.s32 $0xFFFFE000  }
0x6a: {  	[hbm4b:s8+s2] =	stream.linear.scatter [tilespmem:s23], [sflag:$0xF], $0x2000, $0x38;
	[tilespmem:$0x14DC0] =	vst v63  }
.Ltmp2:
0x6b: {  	_ = 	snop;
	(pc) =	sbr.rel @p1 .LBB2_4-.Ltmp2, $4  }
0x6c: {  	_ =	swait.ge [sflag:s14], $0x2000  }
0x6d: {  	[sflag:s14] =	ssyncset.done $0x0  }
0x6e: {  	s8 =	sadd.s32 $0x1C00, s6;
	[sflag:s14] =	ssyncadd.s32 $0xFFFFE000  }
0x6f: {  	[hbm4b:s8+s2] =	stream.linear.scatter [tilespmem:s25], [sflag:$0x10], $0x2000, $0x38;
	[tilespmem:$0x14DC0] =	vst v63  }
0x70: {  	_ =	swait.ge [sflag:s16], $0x2000  }
0x71: {  	s9 =	sshra.s32 s7, $0x2;
	[sflag:s16] =	ssyncset.done $0x0  }
0x72: {  	s8 =	sadd.s32 $0x1BC0, s9;
	[sflag:s16] =	ssyncadd.s32 $0xFFFFE000  }
0x73: {  	[tilespmem:s11], [sflag:$0x1] =	stream.indirect.gather [spmem:s1], $0x80, s8, s10, $0xb8;
	[tilespmem:$0x14DC0] =	vst v63  }
0x74: {  	_ =	swait.ge [sflag:s18], $0x2000  }
0x75: {  	[sflag:s18] =	ssyncset.done $0x0  }
0x76: {  	s8 =	sadd.s32 $0x1C00, s9;
	[sflag:s18] =	ssyncadd.s32 $0xFFFFE000  }
0x77: {  	[tilespmem:s13], [sflag:$0x2] =	stream.indirect.gather [spmem:s1], $0x80, s8, s10, $0xb8;
	[tilespmem:$0x14DC0] =	vst v63  }
0x78: {  	_ =	swait.ge [sflag:s20], $0x2000  }
0x79: {  	[sflag:s20] =	ssyncset.done $0x0  }
0x7a: {  	s8 =	sadd.s32 $0x1C40, s9;
	[sflag:s20] =	ssyncadd.s32 $0xFFFFE000  }
0x7b: {  	[tilespmem:s15], [sflag:$0x3] =	stream.indirect.gather [spmem:s1], $0x80, s8, s10, $0xb8;
	[tilespmem:$0x14DC0] =	vst v63  }
0x7c: {  	_ =	swait.ge [sflag:s22], $0x2000  }
0x7d: {  	[sflag:s22] =	ssyncset.done $0x0  }
0x7e: {  	s8 =	sadd.s32 $0x1C80, s9;
	[sflag:s22] =	ssyncadd.s32 $0xFFFFE000  }
0x7f: {  	[tilespmem:s17], [sflag:$0x4] =	stream.indirect.gather [spmem:s1], $0x80, s8, s10, $0xb8;
	[tilespmem:$0x14DC0] =	vst v63  }
0x80: {  	_ =	swait.ge [sflag:s24], $0x2000  }
0x81: {  	[sflag:s24] =	ssyncset.done $0x0  }
0x82: {  	s8 =	sadd.s32 $0x1CC0, s9;
	[sflag:s24] =	ssyncadd.s32 $0xFFFFE000  }
0x83: {  	[tilespmem:s19], [sflag:$0x5] =	stream.indirect.gather [spmem:s1], $0x80, s8, s10, $0xb8;
	[tilespmem:$0x14DC0] =	vst v63  }
0x84: {  	_ =	swait.ge [sflag:s3], $0x2000  }
0x85: {  	[sflag:s3] =	ssyncset.done $0x0  }
0x86: {  	s8 =	sadd.s32 $0x1D00, s9;
	[sflag:s3] =	ssyncadd.s32 $0xFFFFE000  }
0x87: {  	[tilespmem:s21], [sflag:$0x6] =	stream.indirect.gather [spmem:s1], $0x80, s8, s10, $0xb8;
	[tilespmem:$0x14DC0] =	vst v63  }
0x88: {  	_ =	swait.ge [sflag:s4], $0x2000  }
0x89: {  	[sflag:s4] =	ssyncset.done $0x0  }
0x8a: {  	s8 =	sadd.s32 $0x1D40, s9;
	[sflag:s4] =	ssyncadd.s32 $0xFFFFE000  }
0x8b: {  	[tilespmem:s23], [sflag:$0x7] =	stream.indirect.gather [spmem:s1], $0x80, s8, s10, $0xb8;
	[tilespmem:$0x14DC0] =	vst v63  }
.Ltmp3:
0x8c: {  	_ = 	snop;
	(pc) =	sbr.rel .LBB2_2-.Ltmp3, $4  }
0x8d: {  	_ =	swait.ge [sflag:s5], $0x2000  }
0x8e: {  	s7 =	sadd.s32 $0x800, s7;
	[sflag:s5] =	ssyncset.done $0x0  }
0x8f: {  	s6 =	sadd.s32 $0x40000, s6;
	s9 =	sadd.s32 $0x1D80, s9;
	[sflag:s5] =	ssyncadd.s32 $0xFFFFE000  }
0x90: {  	[tilespmem:s25], [sflag:$0x8] =	stream.indirect.gather [spmem:s1], $0x80, s9, s10, $0xb8;
	[tilespmem:$0x14DC0] =	vst v63  }
.LBB2_5:
0x91: {  	_ =	sfence.sel $0x180000  }
0x92: {  	[bflag:$0x0] =	sbarrier.arrive $0xFFFF  }
0x93: {  	_ =	strace $0x90000047  }
0x94: {  	[bflag:$0x2] =	sbarrier.arrive $0xFFFF  }
0x95: {  	s0 =	rddreg [dreg:$0x3]  }
0x96: {  	s0 =	sadd.s32 @!p0 $0x100000, s0  }
0x97: {  	[sflag:s0] =	ssyncadd.tile.s32 @!p0 $0x1;
	_ =	shalt  }
.Lfunc_end2:
_tile_overlayer_lowered:
.L_overlay_start_2:
0x98: {  	(tag) =	ssettag $0x2  }
0x99: {  	s0 =	rddreg [dreg:$0x0];
	s2 =	stileid.u32  }
0x9a: {  	s1 =	rddreg [dreg:$0x1];
	p0 =	sne.s32 s2, $0x0  }
0x9b: {  	s3 =	rddreg [dreg:$0x2];
	[bflag:$0x3] =	sbarrier.arrive $0xFFFF;
	s2 =	simm.s32 @!p0 $0x1C11  }
0x9c: {  	[timem:s3], [sflag:s2] =	dma.local @!p0 [hbm:s0], s1  }
0x9d: {  	s0 =	simm.s32 @!p0 $0x11  }
0x9e: {  	_ =	swait.ge @!p0 [sflag:s0], s1  }
0x9f: {  	s1 =	ssub.s32 @!p0 $0x0, s1;
	[sflag:s0] =	ssyncset.done @!p0 $0x0  }
0xa0: {  	[sflag:s0] =	ssyncadd.s32 @!p0 s1  }
0xa1: {  	[bflag:$0x3] =	sbarrier.arrive $0xFFFF  }
0xa2: {  	_ =	shalt  }

</sc_bundles>
